<compile_context>
chip_gen: v7x
topology: tpu7x:2x2x1
jax: 0.10.2.dev20260603
libtpu: 0.0.44.dev20260713+nightly
codegen_flags: <defaults>
</compile_context>

<pallas_src>
import functools

import jax
import jax.numpy as jnp
from jax import lax
from jax.experimental import pallas as pl
from jax.experimental.pallas import tpu as pltpu
from jax.experimental.pallas import tpu_sc as plsc

B = 16384
D = 16
NG = 20
NC, NS, L = 2, 16, 16
NW = NC * NS
BPW = B // NW
GENRE_ROWS = 1000

_F32 = jnp.float32
_I32 = jnp.int32


def _sc_gather_pack(user, item, genre_t, director, year, ut, itt, gtt, dt):
    mesh = plsc.VectorSubcoreMesh(
        core_axis_name="c", subcore_axis_name="s",
        num_cores=NC, num_subcores=NS)

    @functools.partial(
        pl.kernel,
        out_type=jax.ShapeDtypeStruct((B * 128,), _F32),
        mesh=mesh,
        scratch_types=[
            pltpu.VMEM((BPW,), _I32),
            pltpu.VMEM((BPW,), _I32),
            pltpu.VMEM((BPW,), _I32),
            pltpu.VMEM((NG * BPW,), _I32),
            pltpu.VMEM((BPW,), _F32),
            pltpu.VMEM((BPW, D), _F32),
            pltpu.VMEM((BPW, D), _F32),
            pltpu.VMEM((BPW, D), _F32),
            pltpu.VMEM((D * GENRE_ROWS,), _F32),
            pltpu.VMEM((BPW * 128,), _F32),
            pltpu.SemaphoreType.DMA,
            pltpu.SemaphoreType.DMA,
        ],
        compiler_params=pltpu.CompilerParams(
            needs_layout_passes=False, use_tc_tiling_on_sc=False),
    )
    def k(user_h, item_h, genre_h, dir_h, year_h, ut_h, it_h, gt_h, dt_h,
          x_h, uidx_v, iidx_v, didx_v, gidx_v, year_v, u_v, i_v, d_v,
          gtab_v, x_v, sem, sem2):
        wid = lax.axis_index("s") * NC + lax.axis_index("c")
        base = wid * BPW
        stage = [
            pltpu.async_copy(user_h.at[pl.ds(base, BPW)], uidx_v, sem2),
            pltpu.async_copy(item_h.at[pl.ds(base, BPW)], iidx_v, sem2),
            pltpu.async_copy(dir_h.at[pl.ds(base, BPW)], didx_v, sem2),
        ]
        rest = [pltpu.async_copy(year_h.at[pl.ds(base, BPW)], year_v, sem2)]
        for j in range(NG):
            rest.append(pltpu.async_copy(
                genre_h.at[j, pl.ds(base, BPW)],
                gidx_v.at[pl.ds(j * BPW, BPW)], sem2))
        for d in range(D):
            rest.append(pltpu.async_copy(
                gt_h.at[d, :],
                gtab_v.at[pl.ds(d * GENRE_ROWS, GENRE_ROWS)], sem2))
        for c in stage:
            c.wait()
        cu = pltpu.async_copy(ut_h.at[uidx_v], u_v, sem)
        ci = pltpu.async_copy(it_h.at[iidx_v], i_v, sem)
        cd = pltpu.async_copy(dt_h.at[didx_v], d_v, sem)
        for c in rest:
            c.wait()

        lane = lax.iota(_I32, L)
        inv = _F32(1.0 / NG)

        def grp_body(g, carry):
            e16 = g * L + lane
            flat16 = e16 * 128

            def j_body(j, accs):
                gi = gidx_v[pl.ds(j * BPW + g * L, L)]
                return tuple(
                    a + plsc.load_gather(gtab_v, [gi + d * GENRE_ROWS])
                    for d, a in enumerate(accs))

            accs = lax.fori_loop(
                0, NG, j_body,
                tuple(jnp.zeros((L,), _F32) for _ in range(D)))
            for d in range(D):
                plsc.store_scatter(x_v, [flat16 + 32 + d], accs[d] * inv)
            return carry

        lax.fori_loop(0, BPW // L, grp_body, 0)

        cu.wait()
        ci.wait()
        cd.wait()

        zeros16 = jnp.zeros((L,), _F32)

        def m_body(e, carry):
            rb = e * 128
            x_v[pl.ds(rb, 16)] = u_v[e]
            x_v[pl.ds(rb + 16, 16)] = i_v[e]
            x_v[pl.ds(rb + 48, 16)] = d_v[e]
            x_v[pl.ds(rb + 64, 16)] = zeros16
            x_v[pl.ds(rb + 80, 16)] = zeros16
            x_v[pl.ds(rb + 96, 16)] = zeros16
            x_v[pl.ds(rb + 112, 16)] = zeros16
            return carry

        lax.fori_loop(0, BPW, m_body, 0)

        def y_body(g, carry):
            e16 = g * L + lane
            yv = year_v[pl.ds(g * L, L)]
            plsc.store_scatter(x_v, [e16 * 128 + 64], yv)
            return carry

        lax.fori_loop(0, BPW // L, y_body, 0)
        pltpu.sync_copy(x_v, x_h.at[pl.ds(wid * (BPW * 128), BPW * 128)])

    return k(user, item, genre_t, director, year, ut, itt, gtt, dt)


_BM = 1024


def _tc_body(x_ref, w1_ref, b1_ref, w2_ref, b2_ref, w3_ref, r_ref, c_ref,
             o_ref):
    xb = x_ref[...]
    rm = r_ref[...]
    red = jnp.dot(xb, rm, preferred_element_type=_F32)
    red2 = jnp.dot(xb * xb, rm, preferred_element_type=_F32)
    s = red[:, 1:2]
    fm = red[:, 0:1] + 0.5 * (s * s - red2[:, 1:2])
    h1 = jnp.maximum(
        jnp.dot(xb, w1_ref[...], preferred_element_type=_F32)
        + b1_ref[...], 0.0)
    h2 = jnp.maximum(
        jnp.dot(h1, w2_ref[...], preferred_element_type=_F32) + b2_ref[...],
        0.0)
    y3 = jnp.dot(h2, w3_ref[...], preferred_element_type=_F32)
    o_ref[...] = jax.nn.sigmoid(fm + y3 + c_ref[...])


def _tc_dense(x, w1p, b1r, w2, b2r, w3, rmat, b3c):
    grid = (B // _BM,)
    full = lambda shape: pl.BlockSpec(shape, lambda i: (0, 0))
    return pl.pallas_call(
        _tc_body,
        grid=grid,
        in_specs=[
            pl.BlockSpec((_BM, 128), lambda i: (i, 0)),
            full((128, 128)),
            full((1, 128)),
            full((128, 64)),
            full((1, 64)),
            full((64, 1)),
            full((128, 2)),
            full((1, 1)),
        ],
        out_specs=pl.BlockSpec((_BM, 1), lambda i: (i, 0)),
        out_shape=jax.ShapeDtypeStruct((B, 1), _F32),
    )(x, w1p, b1r, w2, b2r, w3, rmat, b3c)


def kernel(user, item, genre, director, year, user_table, item_table,
           genre_table, director_table, fc_w, fc_b, bias, W1, b1, W2, b2,
           W3, b3):
    user = user.astype(_I32)
    item = item.astype(_I32)
    genre = genre.astype(_I32)
    director = director.astype(_I32)

    x = _sc_gather_pack(user, item, genre.T, director, year, user_table,
                        item_table, genre_table.T,
                        director_table).reshape(B, 128)

    z63x128 = jnp.zeros((63, 128), _F32)
    w1p = jnp.concatenate([W1, z63x128], axis=0)
    b1r = b1[None, :]
    b2r = b2[None, :]
    z63 = jnp.zeros((63,), _F32)
    rmat = jnp.stack([
        jnp.concatenate([fc_w[:, 0], z63]),
        jnp.concatenate([jnp.ones((65,), _F32), z63])], axis=1)
    b3c = (fc_b[0] + bias[0] + b3[0]).reshape(1, 1)

    return _tc_dense(x, w1p, b1r, W2, b2r, W3, rmat, b3c)

# --- scband reference (transcript-rebuilt; emitter-appended) ---
"""Pipeline reference for scband-deep-fm-36498632081771 (READ-ONLY COPY).

The authoritative reference and input builder live on the scoring server;
editing this copy changes nothing except your own understanding.
"""

import jax, jax.numpy as jnp
import numpy as np

B = 16384
NUM_USERS = 1000000
NUM_ITEMS = 100000
NUM_GENRES = 1000
NUM_DIRECTORS = 100000
D = 16
INPUT_DIM = D * 4 + 1  # 65
MLP_DIMS = [128, 64]


def setup_inputs(seed: int = 0) -> dict:
    key = jax.random.key(seed)
    ks = jax.random.split(key, 20)
    inp = {}
    inp['user'] = jax.random.randint(ks[0], (B,), 0, NUM_USERS, dtype=jnp.int64 if jax.config.jax_enable_x64 else jnp.int32)
    inp['item'] = jax.random.randint(ks[1], (B,), 0, NUM_ITEMS, dtype=jnp.int32)
    inp['genre'] = jax.random.randint(ks[2], (B, 20), 0, NUM_GENRES, dtype=jnp.int32)
    inp['director'] = jax.random.randint(ks[3], (B,), 0, NUM_DIRECTORS, dtype=jnp.int32)
    inp['year'] = jax.random.normal(ks[4], (B,), dtype=jnp.float32)
    # learned parameters
    inp['user_table'] = jax.random.normal(ks[5], (NUM_USERS, D), dtype=jnp.float32) * 0.02
    inp['item_table'] = jax.random.normal(ks[6], (NUM_ITEMS, D), dtype=jnp.float32) * 0.02
    inp['genre_table'] = jax.random.normal(ks[7], (NUM_GENRES, D), dtype=jnp.float32) * 0.02
    inp['director_table'] = jax.random.normal(ks[8], (NUM_DIRECTORS, D), dtype=jnp.float32) * 0.02
    inp['fc_w'] = jax.random.normal(ks[9], (INPUT_DIM, 1), dtype=jnp.float32) * 0.1
    inp['fc_b'] = jnp.zeros((1,), dtype=jnp.float32)
    inp['bias'] = jnp.zeros((1,), dtype=jnp.float32)
    inp['W1'] = jax.random.normal(ks[10], (INPUT_DIM, MLP_DIMS[0]), dtype=jnp.float32) * 0.1
    inp['b1'] = jnp.zeros((MLP_DIMS[0],), dtype=jnp.float32)
    inp['W2'] = jax.random.normal(ks[11], (MLP_DIMS[0], MLP_DIMS[1]), dtype=jnp.float32) * 0.1
    inp['b2'] = jnp.zeros((MLP_DIMS[1],), dtype=jnp.float32)
    inp['W3'] = jax.random.normal(ks[12], (MLP_DIMS[1], 1), dtype=jnp.float32) * 0.1
    inp['b3'] = jnp.zeros((1,), dtype=jnp.float32)
    return inp


def reference(user, item, genre, director, year, user_table, item_table, genre_table, director_table, fc_w, fc_b, bias, W1, b1, W2, b2, W3, b3):
    embed_user = jnp.take(user_table, user, axis=0)            # [B, D]
    embed_item = jnp.take(item_table, item, axis=0)            # [B, D]
    embed_genre = jnp.take(genre_table, genre, axis=0)         # [B, 20, D]
    embed_genre = jnp.mean(embed_genre, axis=1)                # [B, D]
    embed_director = jnp.take(director_table, director, axis=0)  # [B, D]
    x = jnp.concatenate([embed_user, embed_item, embed_genre, embed_director, year[:, None]], axis=1)  # [B, 65]
    # FM component
    fc_out = x @ fc_w + fc_b                                   # [B, 1]
    fm_y = bias + jnp.sum(fc_out, axis=1).reshape(-1, 1)       # [B, 1]
    square_of_sum = (jnp.sum(x, axis=1) ** 2)[:, None]         # [B, 1]
    sum_of_square = jnp.sum(x ** 2, axis=1)[:, None]           # [B, 1]
    fm_y = fm_y + 0.5 * jnp.sum(square_of_sum - sum_of_square, axis=1, keepdims=True)
    # Deep (MLP) component; dropout is identity at inference
    h = jax.nn.relu(x @ W1 + b1)
    h = jax.nn.relu(h @ W2 + b2)
    mlp_y = h @ W3 + b3                                        # [B, 1]
    y = jax.nn.sigmoid(fm_y + mlp_y)
    return y

if __name__ == "__main__":
    import jax
    _d = setup_inputs()
    print(jax.jit(kernel)(*tuple(_d.values())))

</pallas_src>

<mosaic_0001>
#map = affine_map<(d0, d1) -> (0)>
#map1 = affine_map<(d0, d1) -> (0, 0)>
module attributes {stable_mosaic.version = 14 : i64} {
  func.func @k(%arg0: i32, %arg1: i32, %arg2: memref<16384xi32, #tpu.memory_space<hbm>>, %arg3: memref<16384xi32, #tpu.memory_space<hbm>>, %arg4: memref<20x16384xi32, #tpu.memory_space<hbm>>, %arg5: memref<16384xi32, #tpu.memory_space<hbm>>, %arg6: memref<16384xf32, #tpu.memory_space<hbm>>, %arg7: memref<1000000x16xf32, #tpu.memory_space<hbm>>, %arg8: memref<100000x16xf32, #tpu.memory_space<hbm>>, %arg9: memref<16x1000xf32, #tpu.memory_space<hbm>>, %arg10: memref<100000x16xf32, #tpu.memory_space<hbm>>, %arg11: memref<2097152xf32, #tpu.memory_space<hbm>>, %arg12: memref<512xi32, #tpu.memory_space<vmem>>, %arg13: memref<512xi32, #tpu.memory_space<vmem>>, %arg14: memref<512xi32, #tpu.memory_space<vmem>>, %arg15: memref<10240xi32, #tpu.memory_space<vmem>>, %arg16: memref<512xf32, #tpu.memory_space<vmem>>, %arg17: memref<512x16xf32, #tpu.memory_space<vmem>>, %arg18: memref<512x16xf32, #tpu.memory_space<vmem>>, %arg19: memref<512x16xf32, #tpu.memory_space<vmem>>, %arg20: memref<16000xf32, #tpu.memory_space<vmem>>, %arg21: memref<65536xf32, #tpu.memory_space<vmem>>, %arg22: memref<!tpu.dma_semaphore, #tpu.memory_space<semaphore_mem>>, %arg23: memref<!tpu.dma_semaphore, #tpu.memory_space<semaphore_mem>>) attributes {dimension_semantics = [#tpu.dimension_semantics<core_parallel>, #tpu.dimension_semantics<subcore_parallel>], iteration_bounds = array<i64: 2, 16>, scalar_prefetch = 0 : i64, scratch_operands = 12 : i64, tpu.core_type = #tpu.core_type<sc_vector_subcore>, window_params = [{transform_indices = #map}, {transform_indices = #map}, {transform_indices = #map1}, {transform_indices = #map}, {transform_indices = #map}, {transform_indices = #map1}, {transform_indices = #map1}, {transform_indices = #map1}, {transform_indices = #map1}, {transform_indices = #map}]} {
    %mul3A = arith.constant 2 : i32
    %mul3A_0 = arith.muli %arg1, %mul3A : i32
    %add3A = arith.addi %mul3A_0, %arg0 : i32
    %mul3A_1 = arith.constant 512 : i32
    %mul3A_2 = arith.muli %add3A, %mul3A_1 : i32
    %dma_start3A = tpu.memref_slice %arg2[%mul3A_2] : memref<16384xi32, #tpu.memory_space<hbm>> -> memref<512xi32, #tpu.memory_space<hbm>>
    %dma_start3A_3 = tpu.memref_slice %arg2[%mul3A_2] : memref<16384xi32, #tpu.memory_space<hbm>> -> memref<512xi32, #tpu.memory_space<hbm>>
    tpu.enqueue_dma source(%dma_start3A_3 : memref<512xi32, #tpu.memory_space<hbm>>) target(%arg12 : memref<512xi32, #tpu.memory_space<vmem>>) target_semaphore(%arg23 : memref<!tpu.dma_semaphore, #tpu.memory_space<semaphore_mem>>)
    %dma_start3A_4 = tpu.memref_slice %arg3[%mul3A_2] : memref<16384xi32, #tpu.memory_space<hbm>> -> memref<512xi32, #tpu.memory_space<hbm>>
    %dma_start3A_5 = tpu.memref_slice %arg3[%mul3A_2] : memref<16384xi32, #tpu.memory_space<hbm>> -> memref<512xi32, #tpu.memory_space<hbm>>
    tpu.enqueue_dma source(%dma_start3A_5 : memref<512xi32, #tpu.memory_space<hbm>>) target(%arg13 : memref<512xi32, #tpu.memory_space<vmem>>) target_semaphore(%arg23 : memref<!tpu.dma_semaphore, #tpu.memory_space<semaphore_mem>>)
    %dma_start3A_6 = tpu.memref_slice %arg5[%mul3A_2] : memref<16384xi32, #tpu.memory_space<hbm>> -> memref<512xi32, #tpu.memory_space<hbm>>
    %dma_start3A_7 = tpu.memref_slice %arg5[%mul3A_2] : memref<16384xi32, #tpu.memory_space<hbm>> -> memref<512xi32, #tpu.memory_space<hbm>>
    tpu.enqueue_dma source(%dma_start3A_7 : memref<512xi32, #tpu.memory_space<hbm>>) target(%arg14 : memref<512xi32, #tpu.memory_space<vmem>>) target_semaphore(%arg23 : memref<!tpu.dma_semaphore, #tpu.memory_space<semaphore_mem>>)
    %dma_start3A_8 = tpu.memref_slice %arg6[%mul3A_2] : memref<16384xf32, #tpu.memory_space<hbm>> -> memref<512xf32, #tpu.memory_space<hbm>>
    %dma_start3A_9 = tpu.memref_slice %arg6[%mul3A_2] : memref<16384xf32, #tpu.memory_space<hbm>> -> memref<512xf32, #tpu.memory_space<hbm>>
    tpu.enqueue_dma source(%dma_start3A_9 : memref<512xf32, #tpu.memory_space<hbm>>) target(%arg16 : memref<512xf32, #tpu.memory_space<vmem>>) target_semaphore(%arg23 : memref<!tpu.dma_semaphore, #tpu.memory_space<semaphore_mem>>)
    %dma_start3A_10 = arith.constant 0 : i32
    %dma_start3A_11 = arith.constant 0 : i32
    %dma_start3A_12 = tpu.memref_slice %arg15[%dma_start3A_11] : memref<10240xi32, #tpu.memory_space<vmem>> -> memref<512xi32, #tpu.memory_space<vmem>>
    %dma_start3A_13 = tpu.memref_slice %arg4[%dma_start3A_10, %mul3A_2] : memref<20x16384xi32, #tpu.memory_space<hbm>> -> memref<1x512xi32, #tpu.memory_space<hbm>>
    %dma_start3A_14 = tpu.memref_squeeze %dma_start3A_13 : memref<1x512xi32, #tpu.memory_space<hbm>> -> memref<512xi32, #tpu.memory_space<hbm>>
    %dma_start3A_15 = arith.constant 0 : i32
    %dma_start3A_16 = tpu.memref_slice %arg15[%dma_start3A_15] : memref<10240xi32, #tpu.memory_space<vmem>> -> memref<512xi32, #tpu.memory_space<vmem>>
    %dma_start3A_17 = tpu.memref_slice %arg4[%dma_start3A_10, %mul3A_2] : memref<20x16384xi32, #tpu.memory_space<hbm>> -> memref<1x512xi32, #tpu.memory_space<hbm>>
    %dma_start3A_18 = tpu.memref_squeeze %dma_start3A_17 : memref<1x512xi32, #tpu.memory_space<hbm>> -> memref<512xi32, #tpu.memory_space<hbm>>
    tpu.enqueue_dma source(%dma_start3A_18 : memref<512xi32, #tpu.memory_space<hbm>>) target(%dma_start3A_16 : memref<512xi32, #tpu.memory_space<vmem>>) target_semaphore(%arg23 : memref<!tpu.dma_semaphore, #tpu.memory_space<semaphore_mem>>)
    %dma_start3A_19 = arith.constant 1 : i32
    %dma_start3A_20 = arith.constant 512 : i32
    %dma_start3A_21 = tpu.memref_slice %arg15[%dma_start3A_20] : memref<10240xi32, #tpu.memory_space<vmem>> -> memref<512xi32, #tpu.memory_space<vmem>>
    %dma_start3A_22 = tpu.memref_slice %arg4[%dma_start3A_19, %mul3A_2] : memref<20x16384xi32, #tpu.memory_space<hbm>> -> memref<1x512xi32, #tpu.memory_space<hbm>>
    %dma_start3A_23 = tpu.memref_squeeze %dma_start3A_22 : memref<1x512xi32, #tpu.memory_space<hbm>> -> memref<512xi32, #tpu.memory_space<hbm>>
    %dma_start3A_24 = arith.constant 512 : i32
    %dma_start3A_25 = tpu.memref_slice %arg15[%dma_start3A_24] : memref<10240xi32, #tpu.memory_space<vmem>> -> memref<512xi32, #tpu.memory_space<vmem>>
    %dma_start3A_26 = tpu.memref_slice %arg4[%dma_start3A_19, %mul3A_2] : memref<20x16384xi32, #tpu.memory_space<hbm>> -> memref<1x512xi32, #tpu.memory_space<hbm>>
    %dma_start3A_27 = tpu.memref_squeeze %dma_start3A_26 : memref<1x512xi32, #tpu.memory_space<hbm>> -> memref<512xi32, #tpu.memory_space<hbm>>
    tpu.enqueue_dma source(%dma_start3A_27 : memref<512xi32, #tpu.memory_space<hbm>>) target(%dma_start3A_25 : memref<512xi32, #tpu.memory_space<vmem>>) target_semaphore(%arg23 : memref<!tpu.dma_semaphore, #tpu.memory_space<semaphore_mem>>)
    %dma_start3A_28 = arith.constant 2 : i32
    %dma_start3A_29 = arith.constant 1024 : i32
    %dma_start3A_30 = tpu.memref_slice %arg15[%dma_start3A_29] : memref<10240xi32, #tpu.memory_space<vmem>> -> memref<512xi32, #tpu.memory_space<vmem>>
    %dma_start3A_31 = tpu.memref_slice %arg4[%dma_start3A_28, %mul3A_2] : memref<20x16384xi32, #tpu.memory_space<hbm>> -> memref<1x512xi32, #tpu.memory_space<hbm>>
    %dma_start3A_32 = tpu.memref_squeeze %dma_start3A_31 : memref<1x512xi32, #tpu.memory_space<hbm>> -> memref<512xi32, #tpu.memory_space<hbm>>
    %dma_start3A_33 = arith.constant 1024 : i32
    %dma_start3A_34 = tpu.memref_slice %arg15[%dma_start3A_33] : memref<10240xi32, #tpu.memory_space<vmem>> -> memref<512xi32, #tpu.memory_space<vmem>>
    %dma_start3A_35 = tpu.memref_slice %arg4[%dma_start3A_28, %mul3A_2] : memref<20x16384xi32, #tpu.memory_space<hbm>> -> memref<1x512xi32, #tpu.memory_space<hbm>>
    %dma_start3A_36 = tpu.memref_squeeze %dma_start3A_35 : memref<1x512xi32, #tpu.memory_space<hbm>> -> memref<512xi32, #tpu.memory_space<hbm>>
    tpu.enqueue_dma source(%dma_start3A_36 : memref<512xi32, #tpu.memory_space<hbm>>) target(%dma_start3A_34 : memref<512xi32, #tpu.memory_space<vmem>>) target_semaphore(%arg23 : memref<!tpu.dma_semaphore, #tpu.memory_space<semaphore_mem>>)
    %dma_start3A_37 = arith.constant 3 : i32
    %dma_start3A_38 = arith.constant 1536 : i32
    %dma_start3A_39 = tpu.memref_slice %arg15[%dma_start3A_38] : memref<10240xi32, #tpu.memory_space<vmem>> -> memref<512xi32, #tpu.memory_space<vmem>>
    %dma_start3A_40 = tpu.memref_slice %arg4[%dma_start3A_37, %mul3A_2] : memref<20x16384xi32, #tpu.memory_space<hbm>> -> memref<1x512xi32, #tpu.memory_space<hbm>>
    %dma_start3A_41 = tpu.memref_squeeze %dma_start3A_40 : memref<1x512xi32, #tpu.memory_space<hbm>> -> memref<512xi32, #tpu.memory_space<hbm>>
    %dma_start3A_42 = arith.constant 1536 : i32
    %dma_start3A_43 = tpu.memref_slice %arg15[%dma_start3A_42] : memref<10240xi32, #tpu.memory_space<vmem>> -> memref<512xi32, #tpu.memory_space<vmem>>
    %dma_start3A_44 = tpu.memref_slice %arg4[%dma_start3A_37, %mul3A_2] : memref<20x16384xi32, #tpu.memory_space<hbm>> -> memref<1x512xi32, #tpu.memory_space<hbm>>
    %dma_start3A_45 = tpu.memref_squeeze %dma_start3A_44 : memref<1x512xi32, #tpu.memory_space<hbm>> -> memref<512xi32, #tpu.memory_space<hbm>>
    tpu.enqueue_dma source(%dma_start3A_45 : memref<512xi32, #tpu.memory_space<hbm>>) target(%dma_start3A_43 : memref<512xi32, #tpu.memory_space<vmem>>) target_semaphore(%arg23 : memref<!tpu.dma_semaphore, #tpu.memory_space<semaphore_mem>>)
    %dma_start3A_46 = arith.constant 4 : i32
    %dma_start3A_47 = arith.constant 2048 : i32
    %dma_start3A_48 = tpu.memref_slice %arg15[%dma_start3A_47] : memref<10240xi32, #tpu.memory_space<vmem>> -> memref<512xi32, #tpu.memory_space<vmem>>
    %dma_start3A_49 = tpu.memref_slice %arg4[%dma_start3A_46, %mul3A_2] : memref<20x16384xi32, #tpu.memory_space<hbm>> -> memref<1x512xi32, #tpu.memory_space<hbm>>
    %dma_start3A_50 = tpu.memref_squeeze %dma_start3A_49 : memref<1x512xi32, #tpu.memory_space<hbm>> -> memref<512xi32, #tpu.memory_space<hbm>>
    %dma_start3A_51 = arith.constant 2048 : i32
    %dma_start3A_52 = tpu.memref_slice %arg15[%dma_start3A_51] : memref<10240xi32, #tpu.memory_space<vmem>> -> memref<512xi32, #tpu.memory_space<vmem>>
    %dma_start3A_53 = tpu.memref_slice %arg4[%dma_start3A_46, %mul3A_2] : memref<20x16384xi32, #tpu.memory_space<hbm>> -> memref<1x512xi32, #tpu.memory_space<hbm>>
    %dma_start3A_54 = tpu.memref_squeeze %dma_start3A_53 : memref<1x512xi32, #tpu.memory_space<hbm>> -> memref<512xi32, #tpu.memory_space<hbm>>
    tpu.enqueue_dma source(%dma_start3A_54 : memref<512xi32, #tpu.memory_space<hbm>>) target(%dma_start3A_52 : memref<512xi32, #tpu.memory_space<vmem>>) target_semaphore(%arg23 : memref<!tpu.dma_semaphore, #tpu.memory_space<semaphore_mem>>)
    %dma_start3A_55 = arith.constant 5 : i32
    %dma_start3A_56 = arith.constant 2560 : i32
    %dma_start3A_57 = tpu.memref_slice %arg15[%dma_start3A_56] : memref<10240xi32, #tpu.memory_space<vmem>> -> memref<512xi32, #tpu.memory_space<vmem>>
    %dma_start3A_58 = tpu.memref_slice %arg4[%dma_start3A_55, %mul3A_2] : memref<20x16384xi32, #tpu.memory_space<hbm>> -> memref<1x512xi32, #tpu.memory_space<hbm>>
    %dma_start3A_59 = tpu.memref_squeeze %dma_start3A_58 : memref<1x512xi32, #tpu.memory_space<hbm>> -> memref<512xi32, #tpu.memory_space<hbm>>
    %dma_start3A_60 = arith.constant 2560 : i32
    %dma_start3A_61 = tpu.memref_slice %arg15[%dma_start3A_60] : memref<10240xi32, #tpu.memory_space<vmem>> -> memref<512xi32, #tpu.memory_space<vmem>>
    %dma_start3A_62 = tpu.memref_slice %arg4[%dma_start3A_55, %mul3A_2] : memref<20x16384xi32, #tpu.memory_space<hbm>> -> memref<1x512xi32, #tpu.memory_space<hbm>>
    %dma_start3A_63 = tpu.memref_squeeze %dma_start3A_62 : memref<1x512xi32, #tpu.memory_space<hbm>> -> memref<512xi32, #tpu.memory_space<hbm>>
    tpu.enqueue_dma source(%dma_start3A_63 : memref<512xi32, #tpu.memory_space<hbm>>) target(%dma_start3A_61 : memref<512xi32, #tpu.memory_space<vmem>>) target_semaphore(%arg23 : memref<!tpu.dma_semaphore, #tpu.memory_space<semaphore_mem>>)
    %dma_start3A_64 = arith.constant 6 : i32
    %dma_start3A_65 = arith.constant 3072 : i32
    %dma_start3A_66 = tpu.memref_slice %arg15[%dma_start3A_65] : memref<10240xi32, #tpu.memory_space<vmem>> -> memref<512xi32, #tpu.memory_space<vmem>>
    %dma_start3A_67 = tpu.memref_slice %arg4[%dma_start3A_64, %mul3A_2] : memref<20x16384xi32, #tpu.memory_space<hbm>> -> memref<1x512xi32, #tpu.memory_space<hbm>>
    %dma_start3A_68 = tpu.memref_squeeze %dma_start3A_67 : memref<1x512xi32, #tpu.memory_space<hbm>> -> memref<512xi32, #tpu.memory_space<hbm>>
    %dma_start3A_69 = arith.constant 3072 : i32
    %dma_start3A_70 = tpu.memref_slice %arg15[%dma_start3A_69] : memref<10240xi32, #tpu.memory_space<vmem>> -> memref<512xi32, #tpu.memory_space<vmem>>
    %dma_start3A_71 = tpu.memref_slice %arg4[%dma_start3A_64, %mul3A_2] : memref<20x16384xi32, #tpu.memory_space<hbm>> -> memref<1x512xi32, #tpu.memory_space<hbm>>
    %dma_start3A_72 = tpu.memref_squeeze %dma_start3A_71 : memref<1x512xi32, #tpu.memory_space<hbm>> -> memref<512xi32, #tpu.memory_space<hbm>>
    tpu.enqueue_dma source(%dma_start3A_72 : memref<512xi32, #tpu.memory_space<hbm>>) target(%dma_start3A_70 : memref<512xi32, #tpu.memory_space<vmem>>) target_semaphore(%arg23 : memref<!tpu.dma_semaphore, #tpu.memory_space<semaphore_mem>>)
    %dma_start3A_73 = arith.constant 7 : i32
    %dma_start3A_74 = arith.constant 3584 : i32
    %dma_start3A_75 = tpu.memref_slice %arg15[%dma_start3A_74] : memref<10240xi32, #tpu.memory_space<vmem>> -> memref<512xi32, #tpu.memory_space<vmem>>
    %dma_start3A_76 = tpu.memref_slice %arg4[%dma_start3A_73, %mul3A_2] : memref<20x16384xi32, #tpu.memory_space<hbm>> -> memref<1x512xi32, #tpu.memory_space<hbm>>
    %dma_start3A_77 = tpu.memref_squeeze %dma_start3A_76 : memref<1x512xi32, #tpu.memory_space<hbm>> -> memref<512xi32, #tpu.memory_space<hbm>>
    %dma_start3A_78 = arith.constant 3584 : i32
    %dma_start3A_79 = tpu.memref_slice %arg15[%dma_start3A_78] : memref<10240xi32, #tpu.memory_space<vmem>> -> memref<512xi32, #tpu.memory_space<vmem>>
    %dma_start3A_80 = tpu.memref_slice %arg4[%dma_start3A_73, %mul3A_2] : memref<20x16384xi32, #tpu.memory_space<hbm>> -> memref<1x512xi32, #tpu.memory_space<hbm>>
    %dma_start3A_81 = tpu.memref_squeeze %dma_start3A_80 : memref<1x512xi32, #tpu.memory_space<hbm>> -> memref<512xi32, #tpu.memory_space<hbm>>
    tpu.enqueue_dma source(%dma_start3A_81 : memref<512xi32, #tpu.memory_space<hbm>>) target(%dma_start3A_79 : memref<512xi32, #tpu.memory_space<vmem>>) target_semaphore(%arg23 : memref<!tpu.dma_semaphore, #tpu.memory_space<semaphore_mem>>)
    %dma_start3A_82 = arith.constant 8 : i32
    %dma_start3A_83 = arith.constant 4096 : i32
    %dma_start3A_84 = tpu.memref_slice %arg15[%dma_start3A_83] : memref<10240xi32, #tpu.memory_space<vmem>> -> memref<512xi32, #tpu.memory_space<vmem>>
    %dma_start3A_85 = tpu.memref_slice %arg4[%dma_start3A_82, %mul3A_2] : memref<20x16384xi32, #tpu.memory_space<hbm>> -> memref<1x512xi32, #tpu.memory_space<hbm>>
    %dma_start3A_86 = tpu.memref_squeeze %dma_start3A_85 : memref<1x512xi32, #tpu.memory_space<hbm>> -> memref<512xi32, #tpu.memory_space<hbm>>
    %dma_start3A_87 = arith.constant 4096 : i32
    %dma_start3A_88 = tpu.memref_slice %arg15[%dma_start3A_87] : memref<10240xi32, #tpu.memory_space<vmem>> -> memref<512xi32, #tpu.memory_space<vmem>>
    %dma_start3A_89 = tpu.memref_slice %arg4[%dma_start3A_82, %mul3A_2] : memref<20x16384xi32, #tpu.memory_space<hbm>> -> memref<1x512xi32, #tpu.memory_space<hbm>>
    %dma_start3A_90 = tpu.memref_squeeze %dma_start3A_89 : memref<1x512xi32, #tpu.memory_space<hbm>> -> memref<512xi32, #tpu.memory_space<hbm>>
    tpu.enqueue_dma source(%dma_start3A_90 : memref<512xi32, #tpu.memory_space<hbm>>) target(%dma_start3A_88 : memref<512xi32, #tpu.memory_space<vmem>>) target_semaphore(%arg23 : memref<!tpu.dma_semaphore, #tpu.memory_space<semaphore_mem>>)
    %dma_start3A_91 = arith.constant 9 : i32
    %dma_start3A_92 = arith.constant 4608 : i32
    %dma_start3A_93 = tpu.memref_slice %arg15[%dma_start3A_92] : memref<10240xi32, #tpu.memory_space<vmem>> -> memref<512xi32, #tpu.memory_space<vmem>>
    %dma_start3A_94 = tpu.memref_slice %arg4[%dma_start3A_91, %mul3A_2] : memref<20x16384xi32, #tpu.memory_space<hbm>> -> memref<1x512xi32, #tpu.memory_space<hbm>>
    %dma_start3A_95 = tpu.memref_squeeze %dma_start3A_94 : memref<1x512xi32, #tpu.memory_space<hbm>> -> memref<512xi32, #tpu.memory_space<hbm>>
    %dma_start3A_96 = arith.constant 4608 : i32
    %dma_start3A_97 = tpu.memref_slice %arg15[%dma_start3A_96] : memref<10240xi32, #tpu.memory_space<vmem>> -> memref<512xi32, #tpu.memory_space<vmem>>
    %dma_start3A_98 = tpu.memref_slice %arg4[%dma_start3A_91, %mul3A_2] : memref<20x16384xi32, #tpu.memory_space<hbm>> -> memref<1x512xi32, #tpu.memory_space<hbm>>
    %dma_start3A_99 = tpu.memref_squeeze %dma_start3A_98 : memref<1x512xi32, #tpu.memory_space<hbm>> -> memref<512xi32, #tpu.memory_space<hbm>>
    tpu.enqueue_dma source(%dma_start3A_99 : memref<512xi32, #tpu.memory_space<hbm>>) target(%dma_start3A_97 : memref<512xi32, #tpu.memory_space<vmem>>) target_semaphore(%arg23 : memref<!tpu.dma_semaphore, #tpu.memory_space<semaphore_mem>>)
    %dma_start3A_100 = arith.constant 10 : i32
    %dma_start3A_101 = arith.constant 5120 : i32
    %dma_start3A_102 = tpu.memref_slice %arg15[%dma_start3A_101] : memref<10240xi32, #tpu.memory_space<vmem>> -> memref<512xi32, #tpu.memory_space<vmem>>
    %dma_start3A_103 = tpu.memref_slice %arg4[%dma_start3A_100, %mul3A_2] : memref<20x16384xi32, #tpu.memory_space<hbm>> -> memref<1x512xi32, #tpu.memory_space<hbm>>
    %dma_start3A_104 = tpu.memref_squeeze %dma_start3A_103 : memref<1x512xi32, #tpu.memory_space<hbm>> -> memref<512xi32, #tpu.memory_space<hbm>>
    %dma_start3A_105 = arith.constant 5120 : i32
    %dma_start3A_106 = tpu.memref_slice %arg15[%dma_start3A_105] : memref<10240xi32, #tpu.memory_space<vmem>> -> memref<512xi32, #tpu.memory_space<vmem>>
    %dma_start3A_107 = tpu.memref_slice %arg4[%dma_start3A_100, %mul3A_2] : memref<20x16384xi32, #tpu.memory_space<hbm>> -> memref<1x512xi32, #tpu.memory_space<hbm>>
    %dma_start3A_108 = tpu.memref_squeeze %dma_start3A_107 : memref<1x512xi32, #tpu.memory_space<hbm>> -> memref<512xi32, #tpu.memory_space<hbm>>
    tpu.enqueue_dma source(%dma_start3A_108 : memref<512xi32, #tpu.memory_space<hbm>>) target(%dma_start3A_106 : memref<512xi32, #tpu.memory_space<vmem>>) target_semaphore(%arg23 : memref<!tpu.dma_semaphore, #tpu.memory_space<semaphore_mem>>)
    %dma_start3A_109 = arith.constant 11 : i32
    %dma_start3A_110 = arith.constant 5632 : i32
    %dma_start3A_111 = tpu.memref_slice %arg15[%dma_start3A_110] : memref<10240xi32, #tpu.memory_space<vmem>> -> memref<512xi32, #tpu.memory_space<vmem>>
    %dma_start3A_112 = tpu.memref_slice %arg4[%dma_start3A_109, %mul3A_2] : memref<20x16384xi32, #tpu.memory_space<hbm>> -> memref<1x512xi32, #tpu.memory_space<hbm>>
    %dma_start3A_113 = tpu.memref_squeeze %dma_start3A_112 : memref<1x512xi32, #tpu.memory_space<hbm>> -> memref<512xi32, #tpu.memory_space<hbm>>
    %dma_start3A_114 = arith.constant 5632 : i32
    %dma_start3A_115 = tpu.memref_slice %arg15[%dma_start3A_114] : memref<10240xi32, #tpu.memory_space<vmem>> -> memref<512xi32, #tpu.memory_space<vmem>>
    %dma_start3A_116 = tpu.memref_slice %arg4[%dma_start3A_109, %mul3A_2] : memref<20x16384xi32, #tpu.memory_space<hbm>> -> memref<1x512xi32, #tpu.memory_space<hbm>>
    %dma_start3A_117 = tpu.memref_squeeze %dma_start3A_116 : memref<1x512xi32, #tpu.memory_space<hbm>> -> memref<512xi32, #tpu.memory_space<hbm>>
    tpu.enqueue_dma source(%dma_start3A_117 : memref<512xi32, #tpu.memory_space<hbm>>) target(%dma_start3A_115 : memref<512xi32, #tpu.memory_space<vmem>>) target_semaphore(%arg23 : memref<!tpu.dma_semaphore, #tpu.memory_space<semaphore_mem>>)
    %dma_start3A_118 = arith.constant 12 : i32
    %dma_start3A_119 = arith.constant 6144 : i32
    %dma_start3A_120 = tpu.memref_slice %arg15[%dma_start3A_119] : memref<10240xi32, #tpu.memory_space<vmem>> -> memref<512xi32, #tpu.memory_space<vmem>>
    %dma_start3A_121 = tpu.memref_slice %arg4[%dma_start3A_118, %mul3A_2] : memref<20x16384xi32, #tpu.memory_space<hbm>> -> memref<1x512xi32, #tpu.memory_space<hbm>>
    %dma_start3A_122 = tpu.memref_squeeze %dma_start3A_121 : memref<1x512xi32, #tpu.memory_space<hbm>> -> memref<512xi32, #tpu.memory_space<hbm>>
    %dma_start3A_123 = arith.constant 6144 : i32
    %dma_start3A_124 = tpu.memref_slice %arg15[%dma_start3A_123] : memref<10240xi32, #tpu.memory_space<vmem>> -> memref<512xi32, #tpu.memory_space<vmem>>
    %dma_start3A_125 = tpu.memref_slice %arg4[%dma_start3A_118, %mul3A_2] : memref<20x16384xi32, #tpu.memory_space<hbm>> -> memref<1x512xi32, #tpu.memory_space<hbm>>
    %dma_start3A_126 = tpu.memref_squeeze %dma_start3A_125 : memref<1x512xi32, #tpu.memory_space<hbm>> -> memref<512xi32, #tpu.memory_space<hbm>>
    tpu.enqueue_dma source(%dma_start3A_126 : memref<512xi32, #tpu.memory_space<hbm>>) target(%dma_start3A_124 : memref<512xi32, #tpu.memory_space<vmem>>) target_semaphore(%arg23 : memref<!tpu.dma_semaphore, #tpu.memory_space<semaphore_mem>>)
    %dma_start3A_127 = arith.constant 13 : i32
    %dma_start3A_128 = arith.constant 6656 : i32
    %dma_start3A_129 = tpu.memref_slice %arg15[%dma_start3A_128] : memref<10240xi32, #tpu.memory_space<vmem>> -> memref<512xi32, #tpu.memory_space<vmem>>
    %dma_start3A_130 = tpu.memref_slice %arg4[%dma_start3A_127, %mul3A_2] : memref<20x16384xi32, #tpu.memory_space<hbm>> -> memref<1x512xi32, #tpu.memory_space<hbm>>
    %dma_start3A_131 = tpu.memref_squeeze %dma_start3A_130 : memref<1x512xi32, #tpu.memory_space<hbm>> -> memref<512xi32, #tpu.memory_space<hbm>>
    %dma_start3A_132 = arith.constant 6656 : i32
    %dma_start3A_133 = tpu.memref_slice %arg15[%dma_start3A_132] : memref<10240xi32, #tpu.memory_space<vmem>> -> memref<512xi32, #tpu.memory_space<vmem>>
    %dma_start3A_134 = tpu.memref_slice %arg4[%dma_start3A_127, %mul3A_2] : memref<20x16384xi32, #tpu.memory_space<hbm>> -> memref<1x512xi32, #tpu.memory_space<hbm>>
    %dma_start3A_135 = tpu.memref_squeeze %dma_start3A_134 : memref<1x512xi32, #tpu.memory_space<hbm>> -> memref<512xi32, #tpu.memory_space<hbm>>
    tpu.enqueue_dma source(%dma_start3A_135 : memref<512xi32, #tpu.memory_space<hbm>>) target(%dma_start3A_133 : memref<512xi32, #tpu.memory_space<vmem>>) target_semaphore(%arg23 : memref<!tpu.dma_semaphore, #tpu.memory_space<semaphore_mem>>)
    %dma_start3A_136 = arith.constant 14 : i32
    %dma_start3A_137 = arith.constant 7168 : i32
    %dma_start3A_138 = tpu.memref_slice %arg15[%dma_start3A_137] : memref<10240xi32, #tpu.memory_space<vmem>> -> memref<512xi32, #tpu.memory_space<vmem>>
    %dma_start3A_139 = tpu.memref_slice %arg4[%dma_start3A_136, %mul3A_2] : memref<20x16384xi32, #tpu.memory_space<hbm>> -> memref<1x512xi32, #tpu.memory_space<hbm>>
    %dma_start3A_140 = tpu.memref_squeeze %dma_start3A_139 : memref<1x512xi32, #tpu.memory_space<hbm>> -> memref<512xi32, #tpu.memory_space<hbm>>
    %dma_start3A_141 = arith.constant 7168 : i32
    %dma_start3A_142 = tpu.memref_slice %arg15[%dma_start3A_141] : memref<10240xi32, #tpu.memory_space<vmem>> -> memref<512xi32, #tpu.memory_space<vmem>>
    %dma_start3A_143 = tpu.memref_slice %arg4[%dma_start3A_136, %mul3A_2] : memref<20x16384xi32, #tpu.memory_space<hbm>> -> memref<1x512xi32, #tpu.memory_space<hbm>>
    %dma_start3A_144 = tpu.memref_squeeze %dma_start3A_143 : memref<1x512xi32, #tpu.memory_space<hbm>> -> memref<512xi32, #tpu.memory_space<hbm>>
    tpu.enqueue_dma source(%dma_start3A_144 : memref<512xi32, #tpu.memory_space<hbm>>) target(%dma_start3A_142 : memref<512xi32, #tpu.memory_space<vmem>>) target_semaphore(%arg23 : memref<!tpu.dma_semaphore, #tpu.memory_space<semaphore_mem>>)
    %dma_start3A_145 = arith.constant 15 : i32
    %dma_start3A_146 = arith.constant 7680 : i32
    %dma_start3A_147 = tpu.memref_slice %arg15[%dma_start3A_146] : memref<10240xi32, #tpu.memory_space<vmem>> -> memref<512xi32, #tpu.memory_space<vmem>>
    %dma_start3A_148 = tpu.memref_slice %arg4[%dma_start3A_145, %mul3A_2] : memref<20x16384xi32, #tpu.memory_space<hbm>> -> memref<1x512xi32, #tpu.memory_space<hbm>>
    %dma_start3A_149 = tpu.memref_squeeze %dma_start3A_148 : memref<1x512xi32, #tpu.memory_space<hbm>> -> memref<512xi32, #tpu.memory_space<hbm>>
    %dma_start3A_150 = arith.constant 7680 : i32
    %dma_start3A_151 = tpu.memref_slice %arg15[%dma_start3A_150] : memref<10240xi32, #tpu.memory_space<vmem>> -> memref<512xi32, #tpu.memory_space<vmem>>
    %dma_start3A_152 = tpu.memref_slice %arg4[%dma_start3A_145, %mul3A_2] : memref<20x16384xi32, #tpu.memory_space<hbm>> -> memref<1x512xi32, #tpu.memory_space<hbm>>
    %dma_start3A_153 = tpu.memref_squeeze %dma_start3A_152 : memref<1x512xi32, #tpu.memory_space<hbm>> -> memref<512xi32, #tpu.memory_space<hbm>>
    tpu.enqueue_dma source(%dma_start3A_153 : memref<512xi32, #tpu.memory_space<hbm>>) target(%dma_start3A_151 : memref<512xi32, #tpu.memory_space<vmem>>) target_semaphore(%arg23 : memref<!tpu.dma_semaphore, #tpu.memory_space<semaphore_mem>>)
    %dma_start3A_154 = arith.constant 16 : i32
    %dma_start3A_155 = arith.constant 8192 : i32
    %dma_start3A_156 = tpu.memref_slice %arg15[%dma_start3A_155] : memref<10240xi32, #tpu.memory_space<vmem>> -> memref<512xi32, #tpu.memory_space<vmem>>
    %dma_start3A_157 = tpu.memref_slice %arg4[%dma_start3A_154, %mul3A_2] : memref<20x16384xi32, #tpu.memory_space<hbm>> -> memref<1x512xi32, #tpu.memory_space<hbm>>
    %dma_start3A_158 = tpu.memref_squeeze %dma_start3A_157 : memref<1x512xi32, #tpu.memory_space<hbm>> -> memref<512xi32, #tpu.memory_space<hbm>>
    %dma_start3A_159 = arith.constant 8192 : i32
    %dma_start3A_160 = tpu.memref_slice %arg15[%dma_start3A_159] : memref<10240xi32, #tpu.memory_space<vmem>> -> memref<512xi32, #tpu.memory_space<vmem>>
    %dma_start3A_161 = tpu.memref_slice %arg4[%dma_start3A_154, %mul3A_2] : memref<20x16384xi32, #tpu.memory_space<hbm>> -> memref<1x512xi32, #tpu.memory_space<hbm>>
    %dma_start3A_162 = tpu.memref_squeeze %dma_start3A_161 : memref<1x512xi32, #tpu.memory_space<hbm>> -> memref<512xi32, #tpu.memory_space<hbm>>
    tpu.enqueue_dma source(%dma_start3A_162 : memref<512xi32, #tpu.memory_space<hbm>>) target(%dma_start3A_160 : memref<512xi32, #tpu.memory_space<vmem>>) target_semaphore(%arg23 : memref<!tpu.dma_semaphore, #tpu.memory_space<semaphore_mem>>)
    %dma_start3A_163 = arith.constant 17 : i32
    %dma_start3A_164 = arith.constant 8704 : i32
    %dma_start3A_165 = tpu.memref_slice %arg15[%dma_start3A_164] : memref<10240xi32, #tpu.memory_space<vmem>> -> memref<512xi32, #tpu.memory_space<vmem>>
    %dma_start3A_166 = tpu.memref_slice %arg4[%dma_start3A_163, %mul3A_2] : memref<20x16384xi32, #tpu.memory_space<hbm>> -> memref<1x512xi32, #tpu.memory_space<hbm>>
    %dma_start3A_167 = tpu.memref_squeeze %dma_start3A_166 : memref<1x512xi32, #tpu.memory_space<hbm>> -> memref<512xi32, #tpu.memory_space<hbm>>
    %dma_start3A_168 = arith.constant 8704 : i32
    %dma_start3A_169 = tpu.memref_slice %arg15[%dma_start3A_168] : memref<10240xi32, #tpu.memory_space<vmem>> -> memref<512xi32, #tpu.memory_space<vmem>>
    %dma_start3A_170 = tpu.memref_slice %arg4[%dma_start3A_163, %mul3A_2] : memref<20x16384xi32, #tpu.memory_space<hbm>> -> memref<1x512xi32, #tpu.memory_space<hbm>>
    %dma_start3A_171 = tpu.memref_squeeze %dma_start3A_170 : memref<1x512xi32, #tpu.memory_space<hbm>> -> memref<512xi32, #tpu.memory_space<hbm>>
    tpu.enqueue_dma source(%dma_start3A_171 : memref<512xi32, #tpu.memory_space<hbm>>) target(%dma_start3A_169 : memref<512xi32, #tpu.memory_space<vmem>>) target_semaphore(%arg23 : memref<!tpu.dma_semaphore, #tpu.memory_space<semaphore_mem>>)
    %dma_start3A_172 = arith.constant 18 : i32
    %dma_start3A_173 = arith.constant 9216 : i32
    %dma_start3A_174 = tpu.memref_slice %arg15[%dma_start3A_173] : memref<10240xi32, #tpu.memory_space<vmem>> -> memref<512xi32, #tpu.memory_space<vmem>>
    %dma_start3A_175 = tpu.memref_slice %arg4[%dma_start3A_172, %mul3A_2] : memref<20x16384xi32, #tpu.memory_space<hbm>> -> memref<1x512xi32, #tpu.memory_space<hbm>>
    %dma_start3A_176 = tpu.memref_squeeze %dma_start3A_175 : memref<1x512xi32, #tpu.memory_space<hbm>> -> memref<512xi32, #tpu.memory_space<hbm>>
    %dma_start3A_177 = arith.constant 9216 : i32
    %dma_start3A_178 = tpu.memref_slice %arg15[%dma_start3A_177] : memref<10240xi32, #tpu.memory_space<vmem>> -> memref<512xi32, #tpu.memory_space<vmem>>
    %dma_start3A_179 = tpu.memref_slice %arg4[%dma_start3A_172, %mul3A_2] : memref<20x16384xi32, #tpu.memory_space<hbm>> -> memref<1x512xi32, #tpu.memory_space<hbm>>
    %dma_start3A_180 = tpu.memref_squeeze %dma_start3A_179 : memref<1x512xi32, #tpu.memory_space<hbm>> -> memref<512xi32, #tpu.memory_space<hbm>>
    tpu.enqueue_dma source(%dma_start3A_180 : memref<512xi32, #tpu.memory_space<hbm>>) target(%dma_start3A_178 : memref<512xi32, #tpu.memory_space<vmem>>) target_semaphore(%arg23 : memref<!tpu.dma_semaphore, #tpu.memory_space<semaphore_mem>>)
    %dma_start3A_181 = arith.constant 19 : i32
    %dma_start3A_182 = arith.constant 9728 : i32
    %dma_start3A_183 = tpu.memref_slice %arg15[%dma_start3A_182] : memref<10240xi32, #tpu.memory_space<vmem>> -> memref<512xi32, #tpu.memory_space<vmem>>
    %dma_start3A_184 = tpu.memref_slice %arg4[%dma_start3A_181, %mul3A_2] : memref<20x16384xi32, #tpu.memory_space<hbm>> -> memref<1x512xi32, #tpu.memory_space<hbm>>
    %dma_start3A_185 = tpu.memref_squeeze %dma_start3A_184 : memref<1x512xi32, #tpu.memory_space<hbm>> -> memref<512xi32, #tpu.memory_space<hbm>>
    %dma_start3A_186 = arith.constant 9728 : i32
    %dma_start3A_187 = tpu.memref_slice %arg15[%dma_start3A_186] : memref<10240xi32, #tpu.memory_space<vmem>> -> memref<512xi32, #tpu.memory_space<vmem>>
    %dma_start3A_188 = tpu.memref_slice %arg4[%dma_start3A_181, %mul3A_2] : memref<20x16384xi32, #tpu.memory_space<hbm>> -> memref<1x512xi32, #tpu.memory_space<hbm>>
    %dma_start3A_189 = tpu.memref_squeeze %dma_start3A_188 : memref<1x512xi32, #tpu.memory_space<hbm>> -> memref<512xi32, #tpu.memory_space<hbm>>
    tpu.enqueue_dma source(%dma_start3A_189 : memref<512xi32, #tpu.memory_space<hbm>>) target(%dma_start3A_187 : memref<512xi32, #tpu.memory_space<vmem>>) target_semaphore(%arg23 : memref<!tpu.dma_semaphore, #tpu.memory_space<semaphore_mem>>)
    %dma_start3A_190 = arith.constant 0 : i32
    %dma_start3A_191 = arith.constant 0 : i32
    %dma_start3A_192 = tpu.memref_slice %arg20[%dma_start3A_191] : memref<16000xf32, #tpu.memory_space<vmem>> -> memref<1000xf32, #tpu.memory_space<vmem>>
    %dma_start3A_193 = arith.constant 0 : i32
    %dma_start3A_194 = tpu.memref_slice %arg9[%dma_start3A_190, %dma_start3A_193] : memref<16x1000xf32, #tpu.memory_space<hbm>> -> memref<1x1000xf32, #tpu.memory_space<hbm>>
    %dma_start3A_195 = tpu.memref_squeeze %dma_start3A_194 : memref<1x1000xf32, #tpu.memory_space<hbm>> -> memref<1000xf32, #tpu.memory_space<hbm>>
    %dma_start3A_196 = arith.constant 0 : i32
    %dma_start3A_197 = tpu.memref_slice %arg20[%dma_start3A_196] : memref<16000xf32, #tpu.memory_space<vmem>> -> memref<1000xf32, #tpu.memory_space<vmem>>
    %dma_start3A_198 = arith.constant 0 : i32
    %dma_start3A_199 = tpu.memref_slice %arg9[%dma_start3A_190, %dma_start3A_198] : memref<16x1000xf32, #tpu.memory_space<hbm>> -> memref<1x1000xf32, #tpu.memory_space<hbm>>
    %dma_start3A_200 = tpu.memref_squeeze %dma_start3A_199 : memref<1x1000xf32, #tpu.memory_space<hbm>> -> memref<1000xf32, #tpu.memory_space<hbm>>
    tpu.enqueue_dma source(%dma_start3A_200 : memref<1000xf32, #tpu.memory_space<hbm>>) target(%dma_start3A_197 : memref<1000xf32, #tpu.memory_space<vmem>>) target_semaphore(%arg23 : memref<!tpu.dma_semaphore, #tpu.memory_space<semaphore_mem>>)
    %dma_start3A_201 = arith.constant 1 : i32
    %dma_start3A_202 = arith.constant 1000 : i32
    %dma_start3A_203 = tpu.memref_slice %arg20[%dma_start3A_202] : memref<16000xf32, #tpu.memory_space<vmem>> -> memref<1000xf32, #tpu.memory_space<vmem>>
    %dma_start3A_204 = arith.constant 0 : i32
    %dma_start3A_205 = tpu.memref_slice %arg9[%dma_start3A_201, %dma_start3A_204] : memref<16x1000xf32, #tpu.memory_space<hbm>> -> memref<1x1000xf32, #tpu.memory_space<hbm>>
    %dma_start3A_206 = tpu.memref_squeeze %dma_start3A_205 : memref<1x1000xf32, #tpu.memory_space<hbm>> -> memref<1000xf32, #tpu.memory_space<hbm>>
    %dma_start3A_207 = arith.constant 1000 : i32
    %dma_start3A_208 = tpu.memref_slice %arg20[%dma_start3A_207] : memref<16000xf32, #tpu.memory_space<vmem>> -> memref<1000xf32, #tpu.memory_space<vmem>>
    %dma_start3A_209 = arith.constant 0 : i32
    %dma_start3A_210 = tpu.memref_slice %arg9[%dma_start3A_201, %dma_start3A_209] : memref<16x1000xf32, #tpu.memory_space<hbm>> -> memref<1x1000xf32, #tpu.memory_space<hbm>>
    %dma_start3A_211 = tpu.memref_squeeze %dma_start3A_210 : memref<1x1000xf32, #tpu.memory_space<hbm>> -> memref<1000xf32, #tpu.memory_space<hbm>>
    tpu.enqueue_dma source(%dma_start3A_211 : memref<1000xf32, #tpu.memory_space<hbm>>) target(%dma_start3A_208 : memref<1000xf32, #tpu.memory_space<vmem>>) target_semaphore(%arg23 : memref<!tpu.dma_semaphore, #tpu.memory_space<semaphore_mem>>)
    %dma_start3A_212 = arith.constant 2 : i32
    %dma_start3A_213 = arith.constant 2000 : i32
    %dma_start3A_214 = tpu.memref_slice %arg20[%dma_start3A_213] : memref<16000xf32, #tpu.memory_space<vmem>> -> memref<1000xf32, #tpu.memory_space<vmem>>
    %dma_start3A_215 = arith.constant 0 : i32
    %dma_start3A_216 = tpu.memref_slice %arg9[%dma_start3A_212, %dma_start3A_215] : memref<16x1000xf32, #tpu.memory_space<hbm>> -> memref<1x1000xf32, #tpu.memory_space<hbm>>
    %dma_start3A_217 = tpu.memref_squeeze %dma_start3A_216 : memref<1x1000xf32, #tpu.memory_space<hbm>> -> memref<1000xf32, #tpu.memory_space<hbm>>
    %dma_start3A_218 = arith.constant 2000 : i32
    %dma_start3A_219 = tpu.memref_slice %arg20[%dma_start3A_218] : memref<16000xf32, #tpu.memory_space<vmem>> -> memref<1000xf32, #tpu.memory_space<vmem>>
    %dma_start3A_220 = arith.constant 0 : i32
    %dma_start3A_221 = tpu.memref_slice %arg9[%dma_start3A_212, %dma_start3A_220] : memref<16x1000xf32, #tpu.memory_space<hbm>> -> memref<1x1000xf32, #tpu.memory_space<hbm>>
    %dma_start3A_222 = tpu.memref_squeeze %dma_start3A_221 : memref<1x1000xf32, #tpu.memory_space<hbm>> -> memref<1000xf32, #tpu.memory_space<hbm>>
    tpu.enqueue_dma source(%dma_start3A_222 : memref<1000xf32, #tpu.memory_space<hbm>>) target(%dma_start3A_219 : memref<1000xf32, #tpu.memory_space<vmem>>) target_semaphore(%arg23 : memref<!tpu.dma_semaphore, #tpu.memory_space<semaphore_mem>>)
    %dma_start3A_223 = arith.constant 3 : i32
    %dma_start3A_224 = arith.constant 3000 : i32
    %dma_start3A_225 = tpu.memref_slice %arg20[%dma_start3A_224] : memref<16000xf32, #tpu.memory_space<vmem>> -> memref<1000xf32, #tpu.memory_space<vmem>>
    %dma_start3A_226 = arith.constant 0 : i32
    %dma_start3A_227 = tpu.memref_slice %arg9[%dma_start3A_223, %dma_start3A_226] : memref<16x1000xf32, #tpu.memory_space<hbm>> -> memref<1x1000xf32, #tpu.memory_space<hbm>>
    %dma_start3A_228 = tpu.memref_squeeze %dma_start3A_227 : memref<1x1000xf32, #tpu.memory_space<hbm>> -> memref<1000xf32, #tpu.memory_space<hbm>>
    %dma_start3A_229 = arith.constant 3000 : i32
    %dma_start3A_230 = tpu.memref_slice %arg20[%dma_start3A_229] : memref<16000xf32, #tpu.memory_space<vmem>> -> memref<1000xf32, #tpu.memory_space<vmem>>
    %dma_start3A_231 = arith.constant 0 : i32
    %dma_start3A_232 = tpu.memref_slice %arg9[%dma_start3A_223, %dma_start3A_231] : memref<16x1000xf32, #tpu.memory_space<hbm>> -> memref<1x1000xf32, #tpu.memory_space<hbm>>
    %dma_start3A_233 = tpu.memref_squeeze %dma_start3A_232 : memref<1x1000xf32, #tpu.memory_space<hbm>> -> memref<1000xf32, #tpu.memory_space<hbm>>
    tpu.enqueue_dma source(%dma_start3A_233 : memref<1000xf32, #tpu.memory_space<hbm>>) target(%dma_start3A_230 : memref<1000xf32, #tpu.memory_space<vmem>>) target_semaphore(%arg23 : memref<!tpu.dma_semaphore, #tpu.memory_space<semaphore_mem>>)
    %dma_start3A_234 = arith.constant 4 : i32
    %dma_start3A_235 = arith.constant 4000 : i32
    %dma_start3A_236 = tpu.memref_slice %arg20[%dma_start3A_235] : memref<16000xf32, #tpu.memory_space<vmem>> -> memref<1000xf32, #tpu.memory_space<vmem>>
    %dma_start3A_237 = arith.constant 0 : i32
    %dma_start3A_238 = tpu.memref_slice %arg9[%dma_start3A_234, %dma_start3A_237] : memref<16x1000xf32, #tpu.memory_space<hbm>> -> memref<1x1000xf32, #tpu.memory_space<hbm>>
    %dma_start3A_239 = tpu.memref_squeeze %dma_start3A_238 : memref<1x1000xf32, #tpu.memory_space<hbm>> -> memref<1000xf32, #tpu.memory_space<hbm>>
    %dma_start3A_240 = arith.constant 4000 : i32
    %dma_start3A_241 = tpu.memref_slice %arg20[%dma_start3A_240] : memref<16000xf32, #tpu.memory_space<vmem>> -> memref<1000xf32, #tpu.memory_space<vmem>>
    %dma_start3A_242 = arith.constant 0 : i32
    %dma_start3A_243 = tpu.memref_slice %arg9[%dma_start3A_234, %dma_start3A_242] : memref<16x1000xf32, #tpu.memory_space<hbm>> -> memref<1x1000xf32, #tpu.memory_space<hbm>>
    %dma_start3A_244 = tpu.memref_squeeze %dma_start3A_243 : memref<1x1000xf32, #tpu.memory_space<hbm>> -> memref<1000xf32, #tpu.memory_space<hbm>>
    tpu.enqueue_dma source(%dma_start3A_244 : memref<1000xf32, #tpu.memory_space<hbm>>) target(%dma_start3A_241 : memref<1000xf32, #tpu.memory_space<vmem>>) target_semaphore(%arg23 : memref<!tpu.dma_semaphore, #tpu.memory_space<semaphore_mem>>)
    %dma_start3A_245 = arith.constant 5 : i32
    %dma_start3A_246 = arith.constant 5000 : i32
    %dma_start3A_247 = tpu.memref_slice %arg20[%dma_start3A_246] : memref<16000xf32, #tpu.memory_space<vmem>> -> memref<1000xf32, #tpu.memory_space<vmem>>
    %dma_start3A_248 = arith.constant 0 : i32
    %dma_start3A_249 = tpu.memref_slice %arg9[%dma_start3A_245, %dma_start3A_248] : memref<16x1000xf32, #tpu.memory_space<hbm>> -> memref<1x1000xf32, #tpu.memory_space<hbm>>
    %dma_start3A_250 = tpu.memref_squeeze %dma_start3A_249 : memref<1x1000xf32, #tpu.memory_space<hbm>> -> memref<1000xf32, #tpu.memory_space<hbm>>
    %dma_start3A_251 = arith.constant 5000 : i32
    %dma_start3A_252 = tpu.memref_slice %arg20[%dma_start3A_251] : memref<16000xf32, #tpu.memory_space<vmem>> -> memref<1000xf32, #tpu.memory_space<vmem>>
    %dma_start3A_253 = arith.constant 0 : i32
    %dma_start3A_254 = tpu.memref_slice %arg9[%dma_start3A_245, %dma_start3A_253] : memref<16x1000xf32, #tpu.memory_space<hbm>> -> memref<1x1000xf32, #tpu.memory_space<hbm>>
    %dma_start3A_255 = tpu.memref_squeeze %dma_start3A_254 : memref<1x1000xf32, #tpu.memory_space<hbm>> -> memref<1000xf32, #tpu.memory_space<hbm>>
    tpu.enqueue_dma source(%dma_start3A_255 : memref<1000xf32, #tpu.memory_space<hbm>>) target(%dma_start3A_252 : memref<1000xf32, #tpu.memory_space<vmem>>) target_semaphore(%arg23 : memref<!tpu.dma_semaphore, #tpu.memory_space<semaphore_mem>>)
    %dma_start3A_256 = arith.constant 6 : i32
    %dma_start3A_257 = arith.constant 6000 : i32
    %dma_start3A_258 = tpu.memref_slice %arg20[%dma_start3A_257] : memref<16000xf32, #tpu.memory_space<vmem>> -> memref<1000xf32, #tpu.memory_space<vmem>>
    %dma_start3A_259 = arith.constant 0 : i32
    %dma_start3A_260 = tpu.memref_slice %arg9[%dma_start3A_256, %dma_start3A_259] : memref<16x1000xf32, #tpu.memory_space<hbm>> -> memref<1x1000xf32, #tpu.memory_space<hbm>>
    %dma_start3A_261 = tpu.memref_squeeze %dma_start3A_260 : memref<1x1000xf32, #tpu.memory_space<hbm>> -> memref<1000xf32, #tpu.memory_space<hbm>>
    %dma_start3A_262 = arith.constant 6000 : i32
    %dma_start3A_263 = tpu.memref_slice %arg20[%dma_start3A_262] : memref<16000xf32, #tpu.memory_space<vmem>> -> memref<1000xf32, #tpu.memory_space<vmem>>
    %dma_start3A_264 = arith.constant 0 : i32
    %dma_start3A_265 = tpu.memref_slice %arg9[%dma_start3A_256, %dma_start3A_264] : memref<16x1000xf32, #tpu.memory_space<hbm>> -> memref<1x1000xf32, #tpu.memory_space<hbm>>
    %dma_start3A_266 = tpu.memref_squeeze %dma_start3A_265 : memref<1x1000xf32, #tpu.memory_space<hbm>> -> memref<1000xf32, #tpu.memory_space<hbm>>
    tpu.enqueue_dma source(%dma_start3A_266 : memref<1000xf32, #tpu.memory_space<hbm>>) target(%dma_start3A_263 : memref<1000xf32, #tpu.memory_space<vmem>>) target_semaphore(%arg23 : memref<!tpu.dma_semaphore, #tpu.memory_space<semaphore_mem>>)
    %dma_start3A_267 = arith.constant 7 : i32
    %dma_start3A_268 = arith.constant 7000 : i32
    %dma_start3A_269 = tpu.memref_slice %arg20[%dma_start3A_268] : memref<16000xf32, #tpu.memory_space<vmem>> -> memref<1000xf32, #tpu.memory_space<vmem>>
    %dma_start3A_270 = arith.constant 0 : i32
    %dma_start3A_271 = tpu.memref_slice %arg9[%dma_start3A_267, %dma_start3A_270] : memref<16x1000xf32, #tpu.memory_space<hbm>> -> memref<1x1000xf32, #tpu.memory_space<hbm>>
    %dma_start3A_272 = tpu.memref_squeeze %dma_start3A_271 : memref<1x1000xf32, #tpu.memory_space<hbm>> -> memref<1000xf32, #tpu.memory_space<hbm>>
    %dma_start3A_273 = arith.constant 7000 : i32
    %dma_start3A_274 = tpu.memref_slice %arg20[%dma_start3A_273] : memref<16000xf32, #tpu.memory_space<vmem>> -> memref<1000xf32, #tpu.memory_space<vmem>>
    %dma_start3A_275 = arith.constant 0 : i32
    %dma_start3A_276 = tpu.memref_slice %arg9[%dma_start3A_267, %dma_start3A_275] : memref<16x1000xf32, #tpu.memory_space<hbm>> -> memref<1x1000xf32, #tpu.memory_space<hbm>>
    %dma_start3A_277 = tpu.memref_squeeze %dma_start3A_276 : memref<1x1000xf32, #tpu.memory_space<hbm>> -> memref<1000xf32, #tpu.memory_space<hbm>>
    tpu.enqueue_dma source(%dma_start3A_277 : memref<1000xf32, #tpu.memory_space<hbm>>) target(%dma_start3A_274 : memref<1000xf32, #tpu.memory_space<vmem>>) target_semaphore(%arg23 : memref<!tpu.dma_semaphore, #tpu.memory_space<semaphore_mem>>)
    %dma_start3A_278 = arith.constant 8 : i32
    %dma_start3A_279 = arith.constant 8000 : i32
    %dma_start3A_280 = tpu.memref_slice %arg20[%dma_start3A_279] : memref<16000xf32, #tpu.memory_space<vmem>> -> memref<1000xf32, #tpu.memory_space<vmem>>
    %dma_start3A_281 = arith.constant 0 : i32
    %dma_start3A_282 = tpu.memref_slice %arg9[%dma_start3A_278, %dma_start3A_281] : memref<16x1000xf32, #tpu.memory_space<hbm>> -> memref<1x1000xf32, #tpu.memory_space<hbm>>
    %dma_start3A_283 = tpu.memref_squeeze %dma_start3A_282 : memref<1x1000xf32, #tpu.memory_space<hbm>> -> memref<1000xf32, #tpu.memory_space<hbm>>
    %dma_start3A_284 = arith.constant 8000 : i32
    %dma_start3A_285 = tpu.memref_slice %arg20[%dma_start3A_284] : memref<16000xf32, #tpu.memory_space<vmem>> -> memref<1000xf32, #tpu.memory_space<vmem>>
    %dma_start3A_286 = arith.constant 0 : i32
    %dma_start3A_287 = tpu.memref_slice %arg9[%dma_start3A_278, %dma_start3A_286] : memref<16x1000xf32, #tpu.memory_space<hbm>> -> memref<1x1000xf32, #tpu.memory_space<hbm>>
    %dma_start3A_288 = tpu.memref_squeeze %dma_start3A_287 : memref<1x1000xf32, #tpu.memory_space<hbm>> -> memref<1000xf32, #tpu.memory_space<hbm>>
    tpu.enqueue_dma source(%dma_start3A_288 : memref<1000xf32, #tpu.memory_space<hbm>>) target(%dma_start3A_285 : memref<1000xf32, #tpu.memory_space<vmem>>) target_semaphore(%arg23 : memref<!tpu.dma_semaphore, #tpu.memory_space<semaphore_mem>>)
    %dma_start3A_289 = arith.constant 9 : i32
    %dma_start3A_290 = arith.constant 9000 : i32
    %dma_start3A_291 = tpu.memref_slice %arg20[%dma_start3A_290] : memref<16000xf32, #tpu.memory_space<vmem>> -> memref<1000xf32, #tpu.memory_space<vmem>>
    %dma_start3A_292 = arith.constant 0 : i32
    %dma_start3A_293 = tpu.memref_slice %arg9[%dma_start3A_289, %dma_start3A_292] : memref<16x1000xf32, #tpu.memory_space<hbm>> -> memref<1x1000xf32, #tpu.memory_space<hbm>>
    %dma_start3A_294 = tpu.memref_squeeze %dma_start3A_293 : memref<1x1000xf32, #tpu.memory_space<hbm>> -> memref<1000xf32, #tpu.memory_space<hbm>>
    %dma_start3A_295 = arith.constant 9000 : i32
    %dma_start3A_296 = tpu.memref_slice %arg20[%dma_start3A_295] : memref<16000xf32, #tpu.memory_space<vmem>> -> memref<1000xf32, #tpu.memory_space<vmem>>
    %dma_start3A_297 = arith.constant 0 : i32
    %dma_start3A_298 = tpu.memref_slice %arg9[%dma_start3A_289, %dma_start3A_297] : memref<16x1000xf32, #tpu.memory_space<hbm>> -> memref<1x1000xf32, #tpu.memory_space<hbm>>
    %dma_start3A_299 = tpu.memref_squeeze %dma_start3A_298 : memref<1x1000xf32, #tpu.memory_space<hbm>> -> memref<1000xf32, #tpu.memory_space<hbm>>
    tpu.enqueue_dma source(%dma_start3A_299 : memref<1000xf32, #tpu.memory_space<hbm>>) target(%dma_start3A_296 : memref<1000xf32, #tpu.memory_space<vmem>>) target_semaphore(%arg23 : memref<!tpu.dma_semaphore, #tpu.memory_space<semaphore_mem>>)
    %dma_start3A_300 = arith.constant 10 : i32
    %dma_start3A_301 = arith.constant 10000 : i32
    %dma_start3A_302 = tpu.memref_slice %arg20[%dma_start3A_301] : memref<16000xf32, #tpu.memory_space<vmem>> -> memref<1000xf32, #tpu.memory_space<vmem>>
    %dma_start3A_303 = arith.constant 0 : i32
    %dma_start3A_304 = tpu.memref_slice %arg9[%dma_start3A_300, %dma_start3A_303] : memref<16x1000xf32, #tpu.memory_space<hbm>> -> memref<1x1000xf32, #tpu.memory_space<hbm>>
    %dma_start3A_305 = tpu.memref_squeeze %dma_start3A_304 : memref<1x1000xf32, #tpu.memory_space<hbm>> -> memref<1000xf32, #tpu.memory_space<hbm>>
    %dma_start3A_306 = arith.constant 10000 : i32
    %dma_start3A_307 = tpu.memref_slice %arg20[%dma_start3A_306] : memref<16000xf32, #tpu.memory_space<vmem>> -> memref<1000xf32, #tpu.memory_space<vmem>>
    %dma_start3A_308 = arith.constant 0 : i32
    %dma_start3A_309 = tpu.memref_slice %arg9[%dma_start3A_300, %dma_start3A_308] : memref<16x1000xf32, #tpu.memory_space<hbm>> -> memref<1x1000xf32, #tpu.memory_space<hbm>>
    %dma_start3A_310 = tpu.memref_squeeze %dma_start3A_309 : memref<1x1000xf32, #tpu.memory_space<hbm>> -> memref<1000xf32, #tpu.memory_space<hbm>>
    tpu.enqueue_dma source(%dma_start3A_310 : memref<1000xf32, #tpu.memory_space<hbm>>) target(%dma_start3A_307 : memref<1000xf32, #tpu.memory_space<vmem>>) target_semaphore(%arg23 : memref<!tpu.dma_semaphore, #tpu.memory_space<semaphore_mem>>)
    %dma_start3A_311 = arith.constant 11 : i32
    %dma_start3A_312 = arith.constant 11000 : i32
    %dma_start3A_313 = tpu.memref_slice %arg20[%dma_start3A_312] : memref<16000xf32, #tpu.memory_space<vmem>> -> memref<1000xf32, #tpu.memory_space<vmem>>
    %dma_start3A_314 = arith.constant 0 : i32
    %dma_start3A_315 = tpu.memref_slice %arg9[%dma_start3A_311, %dma_start3A_314] : memref<16x1000xf32, #tpu.memory_space<hbm>> -> memref<1x1000xf32, #tpu.memory_space<hbm>>
    %dma_start3A_316 = tpu.memref_squeeze %dma_start3A_315 : memref<1x1000xf32, #tpu.memory_space<hbm>> -> memref<1000xf32, #tpu.memory_space<hbm>>
    %dma_start3A_317 = arith.constant 11000 : i32
    %dma_start3A_318 = tpu.memref_slice %arg20[%dma_start3A_317] : memref<16000xf32, #tpu.memory_space<vmem>> -> memref<1000xf32, #tpu.memory_space<vmem>>
    %dma_start3A_319 = arith.constant 0 : i32
    %dma_start3A_320 = tpu.memref_slice %arg9[%dma_start3A_311, %dma_start3A_319] : memref<16x1000xf32, #tpu.memory_space<hbm>> -> memref<1x1000xf32, #tpu.memory_space<hbm>>
    %dma_start3A_321 = tpu.memref_squeeze %dma_start3A_320 : memref<1x1000xf32, #tpu.memory_space<hbm>> -> memref<1000xf32, #tpu.memory_space<hbm>>
    tpu.enqueue_dma source(%dma_start3A_321 : memref<1000xf32, #tpu.memory_space<hbm>>) target(%dma_start3A_318 : memref<1000xf32, #tpu.memory_space<vmem>>) target_semaphore(%arg23 : memref<!tpu.dma_semaphore, #tpu.memory_space<semaphore_mem>>)
    %dma_start3A_322 = arith.constant 12 : i32
    %dma_start3A_323 = arith.constant 12000 : i32
    %dma_start3A_324 = tpu.memref_slice %arg20[%dma_start3A_323] : memref<16000xf32, #tpu.memory_space<vmem>> -> memref<1000xf32, #tpu.memory_space<vmem>>
    %dma_start3A_325 = arith.constant 0 : i32
    %dma_start3A_326 = tpu.memref_slice %arg9[%dma_start3A_322, %dma_start3A_325] : memref<16x1000xf32, #tpu.memory_space<hbm>> -> memref<1x1000xf32, #tpu.memory_space<hbm>>
    %dma_start3A_327 = tpu.memref_squeeze %dma_start3A_326 : memref<1x1000xf32, #tpu.memory_space<hbm>> -> memref<1000xf32, #tpu.memory_space<hbm>>
    %dma_start3A_328 = arith.constant 12000 : i32
    %dma_start3A_329 = tpu.memref_slice %arg20[%dma_start3A_328] : memref<16000xf32, #tpu.memory_space<vmem>> -> memref<1000xf32, #tpu.memory_space<vmem>>
    %dma_start3A_330 = arith.constant 0 : i32
    %dma_start3A_331 = tpu.memref_slice %arg9[%dma_start3A_322, %dma_start3A_330] : memref<16x1000xf32, #tpu.memory_space<hbm>> -> memref<1x1000xf32, #tpu.memory_space<hbm>>
    %dma_start3A_332 = tpu.memref_squeeze %dma_start3A_331 : memref<1x1000xf32, #tpu.memory_space<hbm>> -> memref<1000xf32, #tpu.memory_space<hbm>>
    tpu.enqueue_dma source(%dma_start3A_332 : memref<1000xf32, #tpu.memory_space<hbm>>) target(%dma_start3A_329 : memref<1000xf32, #tpu.memory_space<vmem>>) target_semaphore(%arg23 : memref<!tpu.dma_semaphore, #tpu.memory_space<semaphore_mem>>)
    %dma_start3A_333 = arith.constant 13 : i32
    %dma_start3A_334 = arith.constant 13000 : i32
    %dma_start3A_335 = tpu.memref_slice %arg20[%dma_start3A_334] : memref<16000xf32, #tpu.memory_space<vmem>> -> memref<1000xf32, #tpu.memory_space<vmem>>
    %dma_start3A_336 = arith.constant 0 : i32
    %dma_start3A_337 = tpu.memref_slice %arg9[%dma_start3A_333, %dma_start3A_336] : memref<16x1000xf32, #tpu.memory_space<hbm>> -> memref<1x1000xf32, #tpu.memory_space<hbm>>
    %dma_start3A_338 = tpu.memref_squeeze %dma_start3A_337 : memref<1x1000xf32, #tpu.memory_space<hbm>> -> memref<1000xf32, #tpu.memory_space<hbm>>
    %dma_start3A_339 = arith.constant 13000 : i32
    %dma_start3A_340 = tpu.memref_slice %arg20[%dma_start3A_339] : memref<16000xf32, #tpu.memory_space<vmem>> -> memref<1000xf32, #tpu.memory_space<vmem>>
    %dma_start3A_341 = arith.constant 0 : i32
    %dma_start3A_342 = tpu.memref_slice %arg9[%dma_start3A_333, %dma_start3A_341] : memref<16x1000xf32, #tpu.memory_space<hbm>> -> memref<1x1000xf32, #tpu.memory_space<hbm>>
    %dma_start3A_343 = tpu.memref_squeeze %dma_start3A_342 : memref<1x1000xf32, #tpu.memory_space<hbm>> -> memref<1000xf32, #tpu.memory_space<hbm>>
    tpu.enqueue_dma source(%dma_start3A_343 : memref<1000xf32, #tpu.memory_space<hbm>>) target(%dma_start3A_340 : memref<1000xf32, #tpu.memory_space<vmem>>) target_semaphore(%arg23 : memref<!tpu.dma_semaphore, #tpu.memory_space<semaphore_mem>>)
    %dma_start3A_344 = arith.constant 14 : i32
    %dma_start3A_345 = arith.constant 14000 : i32
    %dma_start3A_346 = tpu.memref_slice %arg20[%dma_start3A_345] : memref<16000xf32, #tpu.memory_space<vmem>> -> memref<1000xf32, #tpu.memory_space<vmem>>
    %dma_start3A_347 = arith.constant 0 : i32
    %dma_start3A_348 = tpu.memref_slice %arg9[%dma_start3A_344, %dma_start3A_347] : memref<16x1000xf32, #tpu.memory_space<hbm>> -> memref<1x1000xf32, #tpu.memory_space<hbm>>
    %dma_start3A_349 = tpu.memref_squeeze %dma_start3A_348 : memref<1x1000xf32, #tpu.memory_space<hbm>> -> memref<1000xf32, #tpu.memory_space<hbm>>
    %dma_start3A_350 = arith.constant 14000 : i32
    %dma_start3A_351 = tpu.memref_slice %arg20[%dma_start3A_350] : memref<16000xf32, #tpu.memory_space<vmem>> -> memref<1000xf32, #tpu.memory_space<vmem>>
    %dma_start3A_352 = arith.constant 0 : i32
    %dma_start3A_353 = tpu.memref_slice %arg9[%dma_start3A_344, %dma_start3A_352] : memref<16x1000xf32, #tpu.memory_space<hbm>> -> memref<1x1000xf32, #tpu.memory_space<hbm>>
    %dma_start3A_354 = tpu.memref_squeeze %dma_start3A_353 : memref<1x1000xf32, #tpu.memory_space<hbm>> -> memref<1000xf32, #tpu.memory_space<hbm>>
    tpu.enqueue_dma source(%dma_start3A_354 : memref<1000xf32, #tpu.memory_space<hbm>>) target(%dma_start3A_351 : memref<1000xf32, #tpu.memory_space<vmem>>) target_semaphore(%arg23 : memref<!tpu.dma_semaphore, #tpu.memory_space<semaphore_mem>>)
    %dma_start3A_355 = arith.constant 15 : i32
    %dma_start3A_356 = arith.constant 15000 : i32
    %dma_start3A_357 = tpu.memref_slice %arg20[%dma_start3A_356] : memref<16000xf32, #tpu.memory_space<vmem>> -> memref<1000xf32, #tpu.memory_space<vmem>>
    %dma_start3A_358 = arith.constant 0 : i32
    %dma_start3A_359 = tpu.memref_slice %arg9[%dma_start3A_355, %dma_start3A_358] : memref<16x1000xf32, #tpu.memory_space<hbm>> -> memref<1x1000xf32, #tpu.memory_space<hbm>>
    %dma_start3A_360 = tpu.memref_squeeze %dma_start3A_359 : memref<1x1000xf32, #tpu.memory_space<hbm>> -> memref<1000xf32, #tpu.memory_space<hbm>>
    %dma_start3A_361 = arith.constant 15000 : i32
    %dma_start3A_362 = tpu.memref_slice %arg20[%dma_start3A_361] : memref<16000xf32, #tpu.memory_space<vmem>> -> memref<1000xf32, #tpu.memory_space<vmem>>
    %dma_start3A_363 = arith.constant 0 : i32
    %dma_start3A_364 = tpu.memref_slice %arg9[%dma_start3A_355, %dma_start3A_363] : memref<16x1000xf32, #tpu.memory_space<hbm>> -> memref<1x1000xf32, #tpu.memory_space<hbm>>
    %dma_start3A_365 = tpu.memref_squeeze %dma_start3A_364 : memref<1x1000xf32, #tpu.memory_space<hbm>> -> memref<1000xf32, #tpu.memory_space<hbm>>
    tpu.enqueue_dma source(%dma_start3A_365 : memref<1000xf32, #tpu.memory_space<hbm>>) target(%dma_start3A_362 : memref<1000xf32, #tpu.memory_space<vmem>>) target_semaphore(%arg23 : memref<!tpu.dma_semaphore, #tpu.memory_space<semaphore_mem>>)
    %dma_wait3A = tpu.memref_slice %arg2[%mul3A_2] : memref<16384xi32, #tpu.memory_space<hbm>> -> memref<512xi32, #tpu.memory_space<hbm>>
    %dma_wait3A_366 = tpu.memref_slice %arg2[%mul3A_2] : memref<16384xi32, #tpu.memory_space<hbm>> -> memref<512xi32, #tpu.memory_space<hbm>>
    tpu.wait_dma2 semaphore(%arg23 : memref<!tpu.dma_semaphore, #tpu.memory_space<semaphore_mem>>) src(%dma_wait3A_366 : memref<512xi32, #tpu.memory_space<hbm>>) dst(%arg12 : memref<512xi32, #tpu.memory_space<vmem>>)
    %dma_wait3A_367 = tpu.memref_slice %arg3[%mul3A_2] : memref<16384xi32, #tpu.memory_space<hbm>> -> memref<512xi32, #tpu.memory_space<hbm>>
    %dma_wait3A_368 = tpu.memref_slice %arg3[%mul3A_2] : memref<16384xi32, #tpu.memory_space<hbm>> -> memref<512xi32, #tpu.memory_space<hbm>>
    tpu.wait_dma2 semaphore(%arg23 : memref<!tpu.dma_semaphore, #tpu.memory_space<semaphore_mem>>) src(%dma_wait3A_368 : memref<512xi32, #tpu.memory_space<hbm>>) dst(%arg13 : memref<512xi32, #tpu.memory_space<vmem>>)
    %dma_wait3A_369 = tpu.memref_slice %arg5[%mul3A_2] : memref<16384xi32, #tpu.memory_space<hbm>> -> memref<512xi32, #tpu.memory_space<hbm>>
    %dma_wait3A_370 = tpu.memref_slice %arg5[%mul3A_2] : memref<16384xi32, #tpu.memory_space<hbm>> -> memref<512xi32, #tpu.memory_space<hbm>>
    tpu.wait_dma2 semaphore(%arg23 : memref<!tpu.dma_semaphore, #tpu.memory_space<semaphore_mem>>) src(%dma_wait3A_370 : memref<512xi32, #tpu.memory_space<hbm>>) dst(%arg14 : memref<512xi32, #tpu.memory_space<vmem>>)
    %dma_start3A_371 = arith.constant 0 : i32
    %dma_start3A_372 = arith.constant 0 : i32
    %dma_start3A_373 = tpu.memref_slice %arg7[%dma_start3A_371, %dma_start3A_372] : memref<1000000x16xf32, #tpu.memory_space<hbm>> -> memref<1000000x16xf32, #tpu.memory_space<hbm>>
    tpu.enqueue_indirect_dma source(%dma_start3A_373 : memref<1000000x16xf32, #tpu.memory_space<hbm>>) target(%arg17 : memref<512x16xf32, #tpu.memory_space<vmem>>) offsets(%arg12 : memref<512xi32, #tpu.memory_space<vmem>>) semaphore(%arg22 : memref<!tpu.dma_semaphore, #tpu.memory_space<semaphore_mem>>)
    %dma_start3A_374 = arith.constant 0 : i32
    %dma_start3A_375 = arith.constant 0 : i32
    %dma_start3A_376 = tpu.memref_slice %arg8[%dma_start3A_374, %dma_start3A_375] : memref<100000x16xf32, #tpu.memory_space<hbm>> -> memref<100000x16xf32, #tpu.memory_space<hbm>>
    tpu.enqueue_indirect_dma source(%dma_start3A_376 : memref<100000x16xf32, #tpu.memory_space<hbm>>) target(%arg18 : memref<512x16xf32, #tpu.memory_space<vmem>>) offsets(%arg13 : memref<512xi32, #tpu.memory_space<vmem>>) semaphore(%arg22 : memref<!tpu.dma_semaphore, #tpu.memory_space<semaphore_mem>>)
    %dma_start3A_377 = arith.constant 0 : i32
    %dma_start3A_378 = arith.constant 0 : i32
    %dma_start3A_379 = tpu.memref_slice %arg10[%dma_start3A_377, %dma_start3A_378] : memref<100000x16xf32, #tpu.memory_space<hbm>> -> memref<100000x16xf32, #tpu.memory_space<hbm>>
    tpu.enqueue_indirect_dma source(%dma_start3A_379 : memref<100000x16xf32, #tpu.memory_space<hbm>>) target(%arg19 : memref<512x16xf32, #tpu.memory_space<vmem>>) offsets(%arg14 : memref<512xi32, #tpu.memory_space<vmem>>) semaphore(%arg22 : memref<!tpu.dma_semaphore, #tpu.memory_space<semaphore_mem>>)
    %dma_wait3A_380 = tpu.memref_slice %arg6[%mul3A_2] : memref<16384xf32, #tpu.memory_space<hbm>> -> memref<512xf32, #tpu.memory_space<hbm>>
    %dma_wait3A_381 = tpu.memref_slice %arg6[%mul3A_2] : memref<16384xf32, #tpu.memory_space<hbm>> -> memref<512xf32, #tpu.memory_space<hbm>>
    tpu.wait_dma2 semaphore(%arg23 : memref<!tpu.dma_semaphore, #tpu.memory_space<semaphore_mem>>) src(%dma_wait3A_381 : memref<512xf32, #tpu.memory_space<hbm>>) dst(%arg16 : memref<512xf32, #tpu.memory_space<vmem>>)
    %dma_wait3A_382 = arith.constant 0 : i32
    %dma_wait3A_383 = arith.constant 0 : i32
    %dma_wait3A_384 = tpu.memref_slice %arg15[%dma_wait3A_383] : memref<10240xi32, #tpu.memory_space<vmem>> -> memref<512xi32, #tpu.memory_space<vmem>>
    %dma_wait3A_385 = tpu.memref_slice %arg4[%dma_wait3A_382, %mul3A_2] : memref<20x16384xi32, #tpu.memory_space<hbm>> -> memref<1x512xi32, #tpu.memory_space<hbm>>
    %dma_wait3A_386 = tpu.memref_squeeze %dma_wait3A_385 : memref<1x512xi32, #tpu.memory_space<hbm>> -> memref<512xi32, #tpu.memory_space<hbm>>
    %dma_wait3A_387 = arith.constant 0 : i32
    %dma_wait3A_388 = tpu.memref_slice %arg15[%dma_wait3A_387] : memref<10240xi32, #tpu.memory_space<vmem>> -> memref<512xi32, #tpu.memory_space<vmem>>
    %dma_wait3A_389 = tpu.memref_slice %arg4[%dma_wait3A_382, %mul3A_2] : memref<20x16384xi32, #tpu.memory_space<hbm>> -> memref<1x512xi32, #tpu.memory_space<hbm>>
    %dma_wait3A_390 = tpu.memref_squeeze %dma_wait3A_389 : memref<1x512xi32, #tpu.memory_space<hbm>> -> memref<512xi32, #tpu.memory_space<hbm>>
    tpu.wait_dma2 semaphore(%arg23 : memref<!tpu.dma_semaphore, #tpu.memory_space<semaphore_mem>>) src(%dma_wait3A_390 : memref<512xi32, #tpu.memory_space<hbm>>) dst(%dma_wait3A_388 : memref<512xi32, #tpu.memory_space<vmem>>)
    %dma_wait3A_391 = arith.constant 1 : i32
    %dma_wait3A_392 = arith.constant 512 : i32
    %dma_wait3A_393 = tpu.memref_slice %arg15[%dma_wait3A_392] : memref<10240xi32, #tpu.memory_space<vmem>> -> memref<512xi32, #tpu.memory_space<vmem>>
    %dma_wait3A_394 = tpu.memref_slice %arg4[%dma_wait3A_391, %mul3A_2] : memref<20x16384xi32, #tpu.memory_space<hbm>> -> memref<1x512xi32, #tpu.memory_space<hbm>>
    %dma_wait3A_395 = tpu.memref_squeeze %dma_wait3A_394 : memref<1x512xi32, #tpu.memory_space<hbm>> -> memref<512xi32, #tpu.memory_space<hbm>>
    %dma_wait3A_396 = arith.constant 512 : i32
    %dma_wait3A_397 = tpu.memref_slice %arg15[%dma_wait3A_396] : memref<10240xi32, #tpu.memory_space<vmem>> -> memref<512xi32, #tpu.memory_space<vmem>>
    %dma_wait3A_398 = tpu.memref_slice %arg4[%dma_wait3A_391, %mul3A_2] : memref<20x16384xi32, #tpu.memory_space<hbm>> -> memref<1x512xi32, #tpu.memory_space<hbm>>
    %dma_wait3A_399 = tpu.memref_squeeze %dma_wait3A_398 : memref<1x512xi32, #tpu.memory_space<hbm>> -> memref<512xi32, #tpu.memory_space<hbm>>
    tpu.wait_dma2 semaphore(%arg23 : memref<!tpu.dma_semaphore, #tpu.memory_space<semaphore_mem>>) src(%dma_wait3A_399 : memref<512xi32, #tpu.memory_space<hbm>>) dst(%dma_wait3A_397 : memref<512xi32, #tpu.memory_space<vmem>>)
    %dma_wait3A_400 = arith.constant 2 : i32
    %dma_wait3A_401 = arith.constant 1024 : i32
    %dma_wait3A_402 = tpu.memref_slice %arg15[%dma_wait3A_401] : memref<10240xi32, #tpu.memory_space<vmem>> -> memref<512xi32, #tpu.memory_space<vmem>>
    %dma_wait3A_403 = tpu.memref_slice %arg4[%dma_wait3A_400, %mul3A_2] : memref<20x16384xi32, #tpu.memory_space<hbm>> -> memref<1x512xi32, #tpu.memory_space<hbm>>
    %dma_wait3A_404 = tpu.memref_squeeze %dma_wait3A_403 : memref<1x512xi32, #tpu.memory_space<hbm>> -> memref<512xi32, #tpu.memory_space<hbm>>
    %dma_wait3A_405 = arith.constant 1024 : i32
    %dma_wait3A_406 = tpu.memref_slice %arg15[%dma_wait3A_405] : memref<10240xi32, #tpu.memory_space<vmem>> -> memref<512xi32, #tpu.memory_space<vmem>>
    %dma_wait3A_407 = tpu.memref_slice %arg4[%dma_wait3A_400, %mul3A_2] : memref<20x16384xi32, #tpu.memory_space<hbm>> -> memref<1x512xi32, #tpu.memory_space<hbm>>
    %dma_wait3A_408 = tpu.memref_squeeze %dma_wait3A_407 : memref<1x512xi32, #tpu.memory_space<hbm>> -> memref<512xi32, #tpu.memory_space<hbm>>
    tpu.wait_dma2 semaphore(%arg23 : memref<!tpu.dma_semaphore, #tpu.memory_space<semaphore_mem>>) src(%dma_wait3A_408 : memref<512xi32, #tpu.memory_space<hbm>>) dst(%dma_wait3A_406 : memref<512xi32, #tpu.memory_space<vmem>>)
    %dma_wait3A_409 = arith.constant 3 : i32
    %dma_wait3A_410 = arith.constant 1536 : i32
    %dma_wait3A_411 = tpu.memref_slice %arg15[%dma_wait3A_410] : memref<10240xi32, #tpu.memory_space<vmem>> -> memref<512xi32, #tpu.memory_space<vmem>>
    %dma_wait3A_412 = tpu.memref_slice %arg4[%dma_wait3A_409, %mul3A_2] : memref<20x16384xi32, #tpu.memory_space<hbm>> -> memref<1x512xi32, #tpu.memory_space<hbm>>
    %dma_wait3A_413 = tpu.memref_squeeze %dma_wait3A_412 : memref<1x512xi32, #tpu.memory_space<hbm>> -> memref<512xi32, #tpu.memory_space<hbm>>
    %dma_wait3A_414 = arith.constant 1536 : i32
    %dma_wait3A_415 = tpu.memref_slice %arg15[%dma_wait3A_414] : memref<10240xi32, #tpu.memory_space<vmem>> -> memref<512xi32, #tpu.memory_space<vmem>>
    %dma_wait3A_416 = tpu.memref_slice %arg4[%dma_wait3A_409, %mul3A_2] : memref<20x16384xi32, #tpu.memory_space<hbm>> -> memref<1x512xi32, #tpu.memory_space<hbm>>
    %dma_wait3A_417 = tpu.memref_squeeze %dma_wait3A_416 : memref<1x512xi32, #tpu.memory_space<hbm>> -> memref<512xi32, #tpu.memory_space<hbm>>
    tpu.wait_dma2 semaphore(%arg23 : memref<!tpu.dma_semaphore, #tpu.memory_space<semaphore_mem>>) src(%dma_wait3A_417 : memref<512xi32, #tpu.memory_space<hbm>>) dst(%dma_wait3A_415 : memref<512xi32, #tpu.memory_space<vmem>>)
    %dma_wait3A_418 = arith.constant 4 : i32
    %dma_wait3A_419 = arith.constant 2048 : i32
    %dma_wait3A_420 = tpu.memref_slice %arg15[%dma_wait3A_419] : memref<10240xi32, #tpu.memory_space<vmem>> -> memref<512xi32, #tpu.memory_space<vmem>>
    %dma_wait3A_421 = tpu.memref_slice %arg4[%dma_wait3A_418, %mul3A_2] : memref<20x16384xi32, #tpu.memory_space<hbm>> -> memref<1x512xi32, #tpu.memory_space<hbm>>
    %dma_wait3A_422 = tpu.memref_squeeze %dma_wait3A_421 : memref<1x512xi32, #tpu.memory_space<hbm>> -> memref<512xi32, #tpu.memory_space<hbm>>
    %dma_wait3A_423 = arith.constant 2048 : i32
    %dma_wait3A_424 = tpu.memref_slice %arg15[%dma_wait3A_423] : memref<10240xi32, #tpu.memory_space<vmem>> -> memref<512xi32, #tpu.memory_space<vmem>>
    %dma_wait3A_425 = tpu.memref_slice %arg4[%dma_wait3A_418, %mul3A_2] : memref<20x16384xi32, #tpu.memory_space<hbm>> -> memref<1x512xi32, #tpu.memory_space<hbm>>
    %dma_wait3A_426 = tpu.memref_squeeze %dma_wait3A_425 : memref<1x512xi32, #tpu.memory_space<hbm>> -> memref<512xi32, #tpu.memory_space<hbm>>
    tpu.wait_dma2 semaphore(%arg23 : memref<!tpu.dma_semaphore, #tpu.memory_space<semaphore_mem>>) src(%dma_wait3A_426 : memref<512xi32, #tpu.memory_space<hbm>>) dst(%dma_wait3A_424 : memref<512xi32, #tpu.memory_space<vmem>>)
    %dma_wait3A_427 = arith.constant 5 : i32
    %dma_wait3A_428 = arith.constant 2560 : i32
    %dma_wait3A_429 = tpu.memref_slice %arg15[%dma_wait3A_428] : memref<10240xi32, #tpu.memory_space<vmem>> -> memref<512xi32, #tpu.memory_space<vmem>>
    %dma_wait3A_430 = tpu.memref_slice %arg4[%dma_wait3A_427, %mul3A_2] : memref<20x16384xi32, #tpu.memory_space<hbm>> -> memref<1x512xi32, #tpu.memory_space<hbm>>
    %dma_wait3A_431 = tpu.memref_squeeze %dma_wait3A_430 : memref<1x512xi32, #tpu.memory_space<hbm>> -> memref<512xi32, #tpu.memory_space<hbm>>
    %dma_wait3A_432 = arith.constant 2560 : i32
    %dma_wait3A_433 = tpu.memref_slice %arg15[%dma_wait3A_432] : memref<10240xi32, #tpu.memory_space<vmem>> -> memref<512xi32, #tpu.memory_space<vmem>>
    %dma_wait3A_434 = tpu.memref_slice %arg4[%dma_wait3A_427, %mul3A_2] : memref<20x16384xi32, #tpu.memory_space<hbm>> -> memref<1x512xi32, #tpu.memory_space<hbm>>
    %dma_wait3A_435 = tpu.memref_squeeze %dma_wait3A_434 : memref<1x512xi32, #tpu.memory_space<hbm>> -> memref<512xi32, #tpu.memory_space<hbm>>
    tpu.wait_dma2 semaphore(%arg23 : memref<!tpu.dma_semaphore, #tpu.memory_space<semaphore_mem>>) src(%dma_wait3A_435 : memref<512xi32, #tpu.memory_space<hbm>>) dst(%dma_wait3A_433 : memref<512xi32, #tpu.memory_space<vmem>>)
    %dma_wait3A_436 = arith.constant 6 : i32
    %dma_wait3A_437 = arith.constant 3072 : i32
    %dma_wait3A_438 = tpu.memref_slice %arg15[%dma_wait3A_437] : memref<10240xi32, #tpu.memory_space<vmem>> -> memref<512xi32, #tpu.memory_space<vmem>>
    %dma_wait3A_439 = tpu.memref_slice %arg4[%dma_wait3A_436, %mul3A_2] : memref<20x16384xi32, #tpu.memory_space<hbm>> -> memref<1x512xi32, #tpu.memory_space<hbm>>
    %dma_wait3A_440 = tpu.memref_squeeze %dma_wait3A_439 : memref<1x512xi32, #tpu.memory_space<hbm>> -> memref<512xi32, #tpu.memory_space<hbm>>
    %dma_wait3A_441 = arith.constant 3072 : i32
    %dma_wait3A_442 = tpu.memref_slice %arg15[%dma_wait3A_441] : memref<10240xi32, #tpu.memory_space<vmem>> -> memref<512xi32, #tpu.memory_space<vmem>>
    %dma_wait3A_443 = tpu.memref_slice %arg4[%dma_wait3A_436, %mul3A_2] : memref<20x16384xi32, #tpu.memory_space<hbm>> -> memref<1x512xi32, #tpu.memory_space<hbm>>
    %dma_wait3A_444 = tpu.memref_squeeze %dma_wait3A_443 : memref<1x512xi32, #tpu.memory_space<hbm>> -> memref<512xi32, #tpu.memory_space<hbm>>
    tpu.wait_dma2 semaphore(%arg23 : memref<!tpu.dma_semaphore, #tpu.memory_space<semaphore_mem>>) src(%dma_wait3A_444 : memref<512xi32, #tpu.memory_space<hbm>>) dst(%dma_wait3A_442 : memref<512xi32, #tpu.memory_space<vmem>>)
    %dma_wait3A_445 = arith.constant 7 : i32
    %dma_wait3A_446 = arith.constant 3584 : i32
    %dma_wait3A_447 = tpu.memref_slice %arg15[%dma_wait3A_446] : memref<10240xi32, #tpu.memory_space<vmem>> -> memref<512xi32, #tpu.memory_space<vmem>>
    %dma_wait3A_448 = tpu.memref_slice %arg4[%dma_wait3A_445, %mul3A_2] : memref<20x16384xi32, #tpu.memory_space<hbm>> -> memref<1x512xi32, #tpu.memory_space<hbm>>
    %dma_wait3A_449 = tpu.memref_squeeze %dma_wait3A_448 : memref<1x512xi32, #tpu.memory_space<hbm>> -> memref<512xi32, #tpu.memory_space<hbm>>
    %dma_wait3A_450 = arith.constant 3584 : i32
    %dma_wait3A_451 = tpu.memref_slice %arg15[%dma_wait3A_450] : memref<10240xi32, #tpu.memory_space<vmem>> -> memref<512xi32, #tpu.memory_space<vmem>>
    %dma_wait3A_452 = tpu.memref_slice %arg4[%dma_wait3A_445, %mul3A_2] : memref<20x16384xi32, #tpu.memory_space<hbm>> -> memref<1x512xi32, #tpu.memory_space<hbm>>
    %dma_wait3A_453 = tpu.memref_squeeze %dma_wait3A_452 : memref<1x512xi32, #tpu.memory_space<hbm>> -> memref<512xi32, #tpu.memory_space<hbm>>
    tpu.wait_dma2 semaphore(%arg23 : memref<!tpu.dma_semaphore, #tpu.memory_space<semaphore_mem>>) src(%dma_wait3A_453 : memref<512xi32, #tpu.memory_space<hbm>>) dst(%dma_wait3A_451 : memref<512xi32, #tpu.memory_space<vmem>>)
    %dma_wait3A_454 = arith.constant 8 : i32
    %dma_wait3A_455 = arith.constant 4096 : i32
    %dma_wait3A_456 = tpu.memref_slice %arg15[%dma_wait3A_455] : memref<10240xi32, #tpu.memory_space<vmem>> -> memref<512xi32, #tpu.memory_space<vmem>>
    %dma_wait3A_457 = tpu.memref_slice %arg4[%dma_wait3A_454, %mul3A_2] : memref<20x16384xi32, #tpu.memory_space<hbm>> -> memref<1x512xi32, #tpu.memory_space<hbm>>
    %dma_wait3A_458 = tpu.memref_squeeze %dma_wait3A_457 : memref<1x512xi32, #tpu.memory_space<hbm>> -> memref<512xi32, #tpu.memory_space<hbm>>
    %dma_wait3A_459 = arith.constant 4096 : i32
    %dma_wait3A_460 = tpu.memref_slice %arg15[%dma_wait3A_459] : memref<10240xi32, #tpu.memory_space<vmem>> -> memref<512xi32, #tpu.memory_space<vmem>>
    %dma_wait3A_461 = tpu.memref_slice %arg4[%dma_wait3A_454, %mul3A_2] : memref<20x16384xi32, #tpu.memory_space<hbm>> -> memref<1x512xi32, #tpu.memory_space<hbm>>
    %dma_wait3A_462 = tpu.memref_squeeze %dma_wait3A_461 : memref<1x512xi32, #tpu.memory_space<hbm>> -> memref<512xi32, #tpu.memory_space<hbm>>
    tpu.wait_dma2 semaphore(%arg23 : memref<!tpu.dma_semaphore, #tpu.memory_space<semaphore_mem>>) src(%dma_wait3A_462 : memref<512xi32, #tpu.memory_space<hbm>>) dst(%dma_wait3A_460 : memref<512xi32, #tpu.memory_space<vmem>>)
    %dma_wait3A_463 = arith.constant 9 : i32
    %dma_wait3A_464 = arith.constant 4608 : i32
    %dma_wait3A_465 = tpu.memref_slice %arg15[%dma_wait3A_464] : memref<10240xi32, #tpu.memory_space<vmem>> -> memref<512xi32, #tpu.memory_space<vmem>>
    %dma_wait3A_466 = tpu.memref_slice %arg4[%dma_wait3A_463, %mul3A_2] : memref<20x16384xi32, #tpu.memory_space<hbm>> -> memref<1x512xi32, #tpu.memory_space<hbm>>
    %dma_wait3A_467 = tpu.memref_squeeze %dma_wait3A_466 : memref<1x512xi32, #tpu.memory_space<hbm>> -> memref<512xi32, #tpu.memory_space<hbm>>
    %dma_wait3A_468 = arith.constant 4608 : i32
    %dma_wait3A_469 = tpu.memref_slice %arg15[%dma_wait3A_468] : memref<10240xi32, #tpu.memory_space<vmem>> -> memref<512xi32, #tpu.memory_space<vmem>>
    %dma_wait3A_470 = tpu.memref_slice %arg4[%dma_wait3A_463, %mul3A_2] : memref<20x16384xi32, #tpu.memory_space<hbm>> -> memref<1x512xi32, #tpu.memory_space<hbm>>
    %dma_wait3A_471 = tpu.memref_squeeze %dma_wait3A_470 : memref<1x512xi32, #tpu.memory_space<hbm>> -> memref<512xi32, #tpu.memory_space<hbm>>
    tpu.wait_dma2 semaphore(%arg23 : memref<!tpu.dma_semaphore, #tpu.memory_space<semaphore_mem>>) src(%dma_wait3A_471 : memref<512xi32, #tpu.memory_space<hbm>>) dst(%dma_wait3A_469 : memref<512xi32, #tpu.memory_space<vmem>>)
    %dma_wait3A_472 = arith.constant 10 : i32
    %dma_wait3A_473 = arith.constant 5120 : i32
    %dma_wait3A_474 = tpu.memref_slice %arg15[%dma_wait3A_473] : memref<10240xi32, #tpu.memory_space<vmem>> -> memref<512xi32, #tpu.memory_space<vmem>>
    %dma_wait3A_475 = tpu.memref_slice %arg4[%dma_wait3A_472, %mul3A_2] : memref<20x16384xi32, #tpu.memory_space<hbm>> -> memref<1x512xi32, #tpu.memory_space<hbm>>
    %dma_wait3A_476 = tpu.memref_squeeze %dma_wait3A_475 : memref<1x512xi32, #tpu.memory_space<hbm>> -> memref<512xi32, #tpu.memory_space<hbm>>
    %dma_wait3A_477 = arith.constant 5120 : i32
    %dma_wait3A_478 = tpu.memref_slice %arg15[%dma_wait3A_477] : memref<10240xi32, #tpu.memory_space<vmem>> -> memref<512xi32, #tpu.memory_space<vmem>>
    %dma_wait3A_479 = tpu.memref_slice %arg4[%dma_wait3A_472, %mul3A_2] : memref<20x16384xi32, #tpu.memory_space<hbm>> -> memref<1x512xi32, #tpu.memory_space<hbm>>
    %dma_wait3A_480 = tpu.memref_squeeze %dma_wait3A_479 : memref<1x512xi32, #tpu.memory_space<hbm>> -> memref<512xi32, #tpu.memory_space<hbm>>
    tpu.wait_dma2 semaphore(%arg23 : memref<!tpu.dma_semaphore, #tpu.memory_space<semaphore_mem>>) src(%dma_wait3A_480 : memref<512xi32, #tpu.memory_space<hbm>>) dst(%dma_wait3A_478 : memref<512xi32, #tpu.memory_space<vmem>>)
    %dma_wait3A_481 = arith.constant 11 : i32
    %dma_wait3A_482 = arith.constant 5632 : i32
    %dma_wait3A_483 = tpu.memref_slice %arg15[%dma_wait3A_482] : memref<10240xi32, #tpu.memory_space<vmem>> -> memref<512xi32, #tpu.memory_space<vmem>>
    %dma_wait3A_484 = tpu.memref_slice %arg4[%dma_wait3A_481, %mul3A_2] : memref<20x16384xi32, #tpu.memory_space<hbm>> -> memref<1x512xi32, #tpu.memory_space<hbm>>
    %dma_wait3A_485 = tpu.memref_squeeze %dma_wait3A_484 : memref<1x512xi32, #tpu.memory_space<hbm>> -> memref<512xi32, #tpu.memory_space<hbm>>
    %dma_wait3A_486 = arith.constant 5632 : i32
    %dma_wait3A_487 = tpu.memref_slice %arg15[%dma_wait3A_486] : memref<10240xi32, #tpu.memory_space<vmem>> -> memref<512xi32, #tpu.memory_space<vmem>>
    %dma_wait3A_488 = tpu.memref_slice %arg4[%dma_wait3A_481, %mul3A_2] : memref<20x16384xi32, #tpu.memory_space<hbm>> -> memref<1x512xi32, #tpu.memory_space<hbm>>
    %dma_wait3A_489 = tpu.memref_squeeze %dma_wait3A_488 : memref<1x512xi32, #tpu.memory_space<hbm>> -> memref<512xi32, #tpu.memory_space<hbm>>
    tpu.wait_dma2 semaphore(%arg23 : memref<!tpu.dma_semaphore, #tpu.memory_space<semaphore_mem>>) src(%dma_wait3A_489 : memref<512xi32, #tpu.memory_space<hbm>>) dst(%dma_wait3A_487 : memref<512xi32, #tpu.memory_space<vmem>>)
    %dma_wait3A_490 = arith.constant 12 : i32
    %dma_wait3A_491 = arith.constant 6144 : i32
    %dma_wait3A_492 = tpu.memref_slice %arg15[%dma_wait3A_491] : memref<10240xi32, #tpu.memory_space<vmem>> -> memref<512xi32, #tpu.memory_space<vmem>>
    %dma_wait3A_493 = tpu.memref_slice %arg4[%dma_wait3A_490, %mul3A_2] : memref<20x16384xi32, #tpu.memory_space<hbm>> -> memref<1x512xi32, #tpu.memory_space<hbm>>
    %dma_wait3A_494 = tpu.memref_squeeze %dma_wait3A_493 : memref<1x512xi32, #tpu.memory_space<hbm>> -> memref<512xi32, #tpu.memory_space<hbm>>
    %dma_wait3A_495 = arith.constant 6144 : i32
    %dma_wait3A_496 = tpu.memref_slice %arg15[%dma_wait3A_495] : memref<10240xi32, #tpu.memory_space<vmem>> -> memref<512xi32, #tpu.memory_space<vmem>>
    %dma_wait3A_497 = tpu.memref_slice %arg4[%dma_wait3A_490, %mul3A_2] : memref<20x16384xi32, #tpu.memory_space<hbm>> -> memref<1x512xi32, #tpu.memory_space<hbm>>
    %dma_wait3A_498 = tpu.memref_squeeze %dma_wait3A_497 : memref<1x512xi32, #tpu.memory_space<hbm>> -> memref<512xi32, #tpu.memory_space<hbm>>
    tpu.wait_dma2 semaphore(%arg23 : memref<!tpu.dma_semaphore, #tpu.memory_space<semaphore_mem>>) src(%dma_wait3A_498 : memref<512xi32, #tpu.memory_space<hbm>>) dst(%dma_wait3A_496 : memref<512xi32, #tpu.memory_space<vmem>>)
    %dma_wait3A_499 = arith.constant 13 : i32
    %dma_wait3A_500 = arith.constant 6656 : i32
    %dma_wait3A_501 = tpu.memref_slice %arg15[%dma_wait3A_500] : memref<10240xi32, #tpu.memory_space<vmem>> -> memref<512xi32, #tpu.memory_space<vmem>>
    %dma_wait3A_502 = tpu.memref_slice %arg4[%dma_wait3A_499, %mul3A_2] : memref<20x16384xi32, #tpu.memory_space<hbm>> -> memref<1x512xi32, #tpu.memory_space<hbm>>
    %dma_wait3A_503 = tpu.memref_squeeze %dma_wait3A_502 : memref<1x512xi32, #tpu.memory_space<hbm>> -> memref<512xi32, #tpu.memory_space<hbm>>
    %dma_wait3A_504 = arith.constant 6656 : i32
    %dma_wait3A_505 = tpu.memref_slice %arg15[%dma_wait3A_504] : memref<10240xi32, #tpu.memory_space<vmem>> -> memref<512xi32, #tpu.memory_space<vmem>>
    %dma_wait3A_506 = tpu.memref_slice %arg4[%dma_wait3A_499, %mul3A_2] : memref<20x16384xi32, #tpu.memory_space<hbm>> -> memref<1x512xi32, #tpu.memory_space<hbm>>
    %dma_wait3A_507 = tpu.memref_squeeze %dma_wait3A_506 : memref<1x512xi32, #tpu.memory_space<hbm>> -> memref<512xi32, #tpu.memory_space<hbm>>
    tpu.wait_dma2 semaphore(%arg23 : memref<!tpu.dma_semaphore, #tpu.memory_space<semaphore_mem>>) src(%dma_wait3A_507 : memref<512xi32, #tpu.memory_space<hbm>>) dst(%dma_wait3A_505 : memref<512xi32, #tpu.memory_space<vmem>>)
    %dma_wait3A_508 = arith.constant 14 : i32
    %dma_wait3A_509 = arith.constant 7168 : i32
    %dma_wait3A_510 = tpu.memref_slice %arg15[%dma_wait3A_509] : memref<10240xi32, #tpu.memory_space<vmem>> -> memref<512xi32, #tpu.memory_space<vmem>>
    %dma_wait3A_511 = tpu.memref_slice %arg4[%dma_wait3A_508, %mul3A_2] : memref<20x16384xi32, #tpu.memory_space<hbm>> -> memref<1x512xi32, #tpu.memory_space<hbm>>
    %dma_wait3A_512 = tpu.memref_squeeze %dma_wait3A_511 : memref<1x512xi32, #tpu.memory_space<hbm>> -> memref<512xi32, #tpu.memory_space<hbm>>
    %dma_wait3A_513 = arith.constant 7168 : i32
    %dma_wait3A_514 = tpu.memref_slice %arg15[%dma_wait3A_513] : memref<10240xi32, #tpu.memory_space<vmem>> -> memref<512xi32, #tpu.memory_space<vmem>>
    %dma_wait3A_515 = tpu.memref_slice %arg4[%dma_wait3A_508, %mul3A_2] : memref<20x16384xi32, #tpu.memory_space<hbm>> -> memref<1x512xi32, #tpu.memory_space<hbm>>
    %dma_wait3A_516 = tpu.memref_squeeze %dma_wait3A_515 : memref<1x512xi32, #tpu.memory_space<hbm>> -> memref<512xi32, #tpu.memory_space<hbm>>
    tpu.wait_dma2 semaphore(%arg23 : memref<!tpu.dma_semaphore, #tpu.memory_space<semaphore_mem>>) src(%dma_wait3A_516 : memref<512xi32, #tpu.memory_space<hbm>>) dst(%dma_wait3A_514 : memref<512xi32, #tpu.memory_space<vmem>>)
    %dma_wait3A_517 = arith.constant 15 : i32
    %dma_wait3A_518 = arith.constant 7680 : i32
    %dma_wait3A_519 = tpu.memref_slice %arg15[%dma_wait3A_518] : memref<10240xi32, #tpu.memory_space<vmem>> -> memref<512xi32, #tpu.memory_space<vmem>>
    %dma_wait3A_520 = tpu.memref_slice %arg4[%dma_wait3A_517, %mul3A_2] : memref<20x16384xi32, #tpu.memory_space<hbm>> -> memref<1x512xi32, #tpu.memory_space<hbm>>
    %dma_wait3A_521 = tpu.memref_squeeze %dma_wait3A_520 : memref<1x512xi32, #tpu.memory_space<hbm>> -> memref<512xi32, #tpu.memory_space<hbm>>
    %dma_wait3A_522 = arith.constant 7680 : i32
    %dma_wait3A_523 = tpu.memref_slice %arg15[%dma_wait3A_522] : memref<10240xi32, #tpu.memory_space<vmem>> -> memref<512xi32, #tpu.memory_space<vmem>>
    %dma_wait3A_524 = tpu.memref_slice %arg4[%dma_wait3A_517, %mul3A_2] : memref<20x16384xi32, #tpu.memory_space<hbm>> -> memref<1x512xi32, #tpu.memory_space<hbm>>
    %dma_wait3A_525 = tpu.memref_squeeze %dma_wait3A_524 : memref<1x512xi32, #tpu.memory_space<hbm>> -> memref<512xi32, #tpu.memory_space<hbm>>
    tpu.wait_dma2 semaphore(%arg23 : memref<!tpu.dma_semaphore, #tpu.memory_space<semaphore_mem>>) src(%dma_wait3A_525 : memref<512xi32, #tpu.memory_space<hbm>>) dst(%dma_wait3A_523 : memref<512xi32, #tpu.memory_space<vmem>>)
    %dma_wait3A_526 = arith.constant 16 : i32
    %dma_wait3A_527 = arith.constant 8192 : i32
    %dma_wait3A_528 = tpu.memref_slice %arg15[%dma_wait3A_527] : memref<10240xi32, #tpu.memory_space<vmem>> -> memref<512xi32, #tpu.memory_space<vmem>>
    %dma_wait3A_529 = tpu.memref_slice %arg4[%dma_wait3A_526, %mul3A_2] : memref<20x16384xi32, #tpu.memory_space<hbm>> -> memref<1x512xi32, #tpu.memory_space<hbm>>
    %dma_wait3A_530 = tpu.memref_squeeze %dma_wait3A_529 : memref<1x512xi32, #tpu.memory_space<hbm>> -> memref<512xi32, #tpu.memory_space<hbm>>
    %dma_wait3A_531 = arith.constant 8192 : i32
    %dma_wait3A_532 = tpu.memref_slice %arg15[%dma_wait3A_531] : memref<10240xi32, #tpu.memory_space<vmem>> -> memref<512xi32, #tpu.memory_space<vmem>>
    %dma_wait3A_533 = tpu.memref_slice %arg4[%dma_wait3A_526, %mul3A_2] : memref<20x16384xi32, #tpu.memory_space<hbm>> -> memref<1x512xi32, #tpu.memory_space<hbm>>
    %dma_wait3A_534 = tpu.memref_squeeze %dma_wait3A_533 : memref<1x512xi32, #tpu.memory_space<hbm>> -> memref<512xi32, #tpu.memory_space<hbm>>
    tpu.wait_dma2 semaphore(%arg23 : memref<!tpu.dma_semaphore, #tpu.memory_space<semaphore_mem>>) src(%dma_wait3A_534 : memref<512xi32, #tpu.memory_space<hbm>>) dst(%dma_wait3A_532 : memref<512xi32, #tpu.memory_space<vmem>>)
    %dma_wait3A_535 = arith.constant 17 : i32
    %dma_wait3A_536 = arith.constant 8704 : i32
    %dma_wait3A_537 = tpu.memref_slice %arg15[%dma_wait3A_536] : memref<10240xi32, #tpu.memory_space<vmem>> -> memref<512xi32, #tpu.memory_space<vmem>>
    %dma_wait3A_538 = tpu.memref_slice %arg4[%dma_wait3A_535, %mul3A_2] : memref<20x16384xi32, #tpu.memory_space<hbm>> -> memref<1x512xi32, #tpu.memory_space<hbm>>
    %dma_wait3A_539 = tpu.memref_squeeze %dma_wait3A_538 : memref<1x512xi32, #tpu.memory_space<hbm>> -> memref<512xi32, #tpu.memory_space<hbm>>
    %dma_wait3A_540 = arith.constant 8704 : i32
    %dma_wait3A_541 = tpu.memref_slice %arg15[%dma_wait3A_540] : memref<10240xi32, #tpu.memory_space<vmem>> -> memref<512xi32, #tpu.memory_space<vmem>>
    %dma_wait3A_542 = tpu.memref_slice %arg4[%dma_wait3A_535, %mul3A_2] : memref<20x16384xi32, #tpu.memory_space<hbm>> -> memref<1x512xi32, #tpu.memory_space<hbm>>
    %dma_wait3A_543 = tpu.memref_squeeze %dma_wait3A_542 : memref<1x512xi32, #tpu.memory_space<hbm>> -> memref<512xi32, #tpu.memory_space<hbm>>
    tpu.wait_dma2 semaphore(%arg23 : memref<!tpu.dma_semaphore, #tpu.memory_space<semaphore_mem>>) src(%dma_wait3A_543 : memref<512xi32, #tpu.memory_space<hbm>>) dst(%dma_wait3A_541 : memref<512xi32, #tpu.memory_space<vmem>>)
    %dma_wait3A_544 = arith.constant 18 : i32
    %dma_wait3A_545 = arith.constant 9216 : i32
    %dma_wait3A_546 = tpu.memref_slice %arg15[%dma_wait3A_545] : memref<10240xi32, #tpu.memory_space<vmem>> -> memref<512xi32, #tpu.memory_space<vmem>>
    %dma_wait3A_547 = tpu.memref_slice %arg4[%dma_wait3A_544, %mul3A_2] : memref<20x16384xi32, #tpu.memory_space<hbm>> -> memref<1x512xi32, #tpu.memory_space<hbm>>
    %dma_wait3A_548 = tpu.memref_squeeze %dma_wait3A_547 : memref<1x512xi32, #tpu.memory_space<hbm>> -> memref<512xi32, #tpu.memory_space<hbm>>
    %dma_wait3A_549 = arith.constant 9216 : i32
    %dma_wait3A_550 = tpu.memref_slice %arg15[%dma_wait3A_549] : memref<10240xi32, #tpu.memory_space<vmem>> -> memref<512xi32, #tpu.memory_space<vmem>>
    %dma_wait3A_551 = tpu.memref_slice %arg4[%dma_wait3A_544, %mul3A_2] : memref<20x16384xi32, #tpu.memory_space<hbm>> -> memref<1x512xi32, #tpu.memory_space<hbm>>
    %dma_wait3A_552 = tpu.memref_squeeze %dma_wait3A_551 : memref<1x512xi32, #tpu.memory_space<hbm>> -> memref<512xi32, #tpu.memory_space<hbm>>
    tpu.wait_dma2 semaphore(%arg23 : memref<!tpu.dma_semaphore, #tpu.memory_space<semaphore_mem>>) src(%dma_wait3A_552 : memref<512xi32, #tpu.memory_space<hbm>>) dst(%dma_wait3A_550 : memref<512xi32, #tpu.memory_space<vmem>>)
    %dma_wait3A_553 = arith.constant 19 : i32
    %dma_wait3A_554 = arith.constant 9728 : i32
    %dma_wait3A_555 = tpu.memref_slice %arg15[%dma_wait3A_554] : memref<10240xi32, #tpu.memory_space<vmem>> -> memref<512xi32, #tpu.memory_space<vmem>>
    %dma_wait3A_556 = tpu.memref_slice %arg4[%dma_wait3A_553, %mul3A_2] : memref<20x16384xi32, #tpu.memory_space<hbm>> -> memref<1x512xi32, #tpu.memory_space<hbm>>
    %dma_wait3A_557 = tpu.memref_squeeze %dma_wait3A_556 : memref<1x512xi32, #tpu.memory_space<hbm>> -> memref<512xi32, #tpu.memory_space<hbm>>
    %dma_wait3A_558 = arith.constant 9728 : i32
    %dma_wait3A_559 = tpu.memref_slice %arg15[%dma_wait3A_558] : memref<10240xi32, #tpu.memory_space<vmem>> -> memref<512xi32, #tpu.memory_space<vmem>>
    %dma_wait3A_560 = tpu.memref_slice %arg4[%dma_wait3A_553, %mul3A_2] : memref<20x16384xi32, #tpu.memory_space<hbm>> -> memref<1x512xi32, #tpu.memory_space<hbm>>
    %dma_wait3A_561 = tpu.memref_squeeze %dma_wait3A_560 : memref<1x512xi32, #tpu.memory_space<hbm>> -> memref<512xi32, #tpu.memory_space<hbm>>
    tpu.wait_dma2 semaphore(%arg23 : memref<!tpu.dma_semaphore, #tpu.memory_space<semaphore_mem>>) src(%dma_wait3A_561 : memref<512xi32, #tpu.memory_space<hbm>>) dst(%dma_wait3A_559 : memref<512xi32, #tpu.memory_space<vmem>>)
    %dma_wait3A_562 = arith.constant 0 : i32
    %dma_wait3A_563 = arith.constant 0 : i32
    %dma_wait3A_564 = tpu.memref_slice %arg20[%dma_wait3A_563] : memref<16000xf32, #tpu.memory_space<vmem>> -> memref<1000xf32, #tpu.memory_space<vmem>>
    %dma_wait3A_565 = arith.constant 0 : i32
    %dma_wait3A_566 = tpu.memref_slice %arg9[%dma_wait3A_562, %dma_wait3A_565] : memref<16x1000xf32, #tpu.memory_space<hbm>> -> memref<1x1000xf32, #tpu.memory_space<hbm>>
    %dma_wait3A_567 = tpu.memref_squeeze %dma_wait3A_566 : memref<1x1000xf32, #tpu.memory_space<hbm>> -> memref<1000xf32, #tpu.memory_space<hbm>>
    %dma_wait3A_568 = arith.constant 0 : i32
    %dma_wait3A_569 = tpu.memref_slice %arg20[%dma_wait3A_568] : memref<16000xf32, #tpu.memory_space<vmem>> -> memref<1000xf32, #tpu.memory_space<vmem>>
    %dma_wait3A_570 = arith.constant 0 : i32
    %dma_wait3A_571 = tpu.memref_slice %arg9[%dma_wait3A_562, %dma_wait3A_570] : memref<16x1000xf32, #tpu.memory_space<hbm>> -> memref<1x1000xf32, #tpu.memory_space<hbm>>
    %dma_wait3A_572 = tpu.memref_squeeze %dma_wait3A_571 : memref<1x1000xf32, #tpu.memory_space<hbm>> -> memref<1000xf32, #tpu.memory_space<hbm>>
    tpu.wait_dma2 semaphore(%arg23 : memref<!tpu.dma_semaphore, #tpu.memory_space<semaphore_mem>>) src(%dma_wait3A_572 : memref<1000xf32, #tpu.memory_space<hbm>>) dst(%dma_wait3A_569 : memref<1000xf32, #tpu.memory_space<vmem>>)
    %dma_wait3A_573 = arith.constant 1 : i32
    %dma_wait3A_574 = arith.constant 1000 : i32
    %dma_wait3A_575 = tpu.memref_slice %arg20[%dma_wait3A_574] : memref<16000xf32, #tpu.memory_space<vmem>> -> memref<1000xf32, #tpu.memory_space<vmem>>
    %dma_wait3A_576 = arith.constant 0 : i32
    %dma_wait3A_577 = tpu.memref_slice %arg9[%dma_wait3A_573, %dma_wait3A_576] : memref<16x1000xf32, #tpu.memory_space<hbm>> -> memref<1x1000xf32, #tpu.memory_space<hbm>>
    %dma_wait3A_578 = tpu.memref_squeeze %dma_wait3A_577 : memref<1x1000xf32, #tpu.memory_space<hbm>> -> memref<1000xf32, #tpu.memory_space<hbm>>
    %dma_wait3A_579 = arith.constant 1000 : i32
    %dma_wait3A_580 = tpu.memref_slice %arg20[%dma_wait3A_579] : memref<16000xf32, #tpu.memory_space<vmem>> -> memref<1000xf32, #tpu.memory_space<vmem>>
    %dma_wait3A_581 = arith.constant 0 : i32
    %dma_wait3A_582 = tpu.memref_slice %arg9[%dma_wait3A_573, %dma_wait3A_581] : memref<16x1000xf32, #tpu.memory_space<hbm>> -> memref<1x1000xf32, #tpu.memory_space<hbm>>
    %dma_wait3A_583 = tpu.memref_squeeze %dma_wait3A_582 : memref<1x1000xf32, #tpu.memory_space<hbm>> -> memref<1000xf32, #tpu.memory_space<hbm>>
    tpu.wait_dma2 semaphore(%arg23 : memref<!tpu.dma_semaphore, #tpu.memory_space<semaphore_mem>>) src(%dma_wait3A_583 : memref<1000xf32, #tpu.memory_space<hbm>>) dst(%dma_wait3A_580 : memref<1000xf32, #tpu.memory_space<vmem>>)
    %dma_wait3A_584 = arith.constant 2 : i32
    %dma_wait3A_585 = arith.constant 2000 : i32
    %dma_wait3A_586 = tpu.memref_slice %arg20[%dma_wait3A_585] : memref<16000xf32, #tpu.memory_space<vmem>> -> memref<1000xf32, #tpu.memory_space<vmem>>
    %dma_wait3A_587 = arith.constant 0 : i32
    %dma_wait3A_588 = tpu.memref_slice %arg9[%dma_wait3A_584, %dma_wait3A_587] : memref<16x1000xf32, #tpu.memory_space<hbm>> -> memref<1x1000xf32, #tpu.memory_space<hbm>>
    %dma_wait3A_589 = tpu.memref_squeeze %dma_wait3A_588 : memref<1x1000xf32, #tpu.memory_space<hbm>> -> memref<1000xf32, #tpu.memory_space<hbm>>
    %dma_wait3A_590 = arith.constant 2000 : i32
    %dma_wait3A_591 = tpu.memref_slice %arg20[%dma_wait3A_590] : memref<16000xf32, #tpu.memory_space<vmem>> -> memref<1000xf32, #tpu.memory_space<vmem>>
    %dma_wait3A_592 = arith.constant 0 : i32
    %dma_wait3A_593 = tpu.memref_slice %arg9[%dma_wait3A_584, %dma_wait3A_592] : memref<16x1000xf32, #tpu.memory_space<hbm>> -> memref<1x1000xf32, #tpu.memory_space<hbm>>
    %dma_wait3A_594 = tpu.memref_squeeze %dma_wait3A_593 : memref<1x1000xf32, #tpu.memory_space<hbm>> -> memref<1000xf32, #tpu.memory_space<hbm>>
    tpu.wait_dma2 semaphore(%arg23 : memref<!tpu.dma_semaphore, #tpu.memory_space<semaphore_mem>>) src(%dma_wait3A_594 : memref<1000xf32, #tpu.memory_space<hbm>>) dst(%dma_wait3A_591 : memref<1000xf32, #tpu.memory_space<vmem>>)
    %dma_wait3A_595 = arith.constant 3 : i32
    %dma_wait3A_596 = arith.constant 3000 : i32
    %dma_wait3A_597 = tpu.memref_slice %arg20[%dma_wait3A_596] : memref<16000xf32, #tpu.memory_space<vmem>> -> memref<1000xf32, #tpu.memory_space<vmem>>
    %dma_wait3A_598 = arith.constant 0 : i32
    %dma_wait3A_599 = tpu.memref_slice %arg9[%dma_wait3A_595, %dma_wait3A_598] : memref<16x1000xf32, #tpu.memory_space<hbm>> -> memref<1x1000xf32, #tpu.memory_space<hbm>>
    %dma_wait3A_600 = tpu.memref_squeeze %dma_wait3A_599 : memref<1x1000xf32, #tpu.memory_space<hbm>> -> memref<1000xf32, #tpu.memory_space<hbm>>
    %dma_wait3A_601 = arith.constant 3000 : i32
    %dma_wait3A_602 = tpu.memref_slice %arg20[%dma_wait3A_601] : memref<16000xf32, #tpu.memory_space<vmem>> -> memref<1000xf32, #tpu.memory_space<vmem>>
    %dma_wait3A_603 = arith.constant 0 : i32
    %dma_wait3A_604 = tpu.memref_slice %arg9[%dma_wait3A_595, %dma_wait3A_603] : memref<16x1000xf32, #tpu.memory_space<hbm>> -> memref<1x1000xf32, #tpu.memory_space<hbm>>
    %dma_wait3A_605 = tpu.memref_squeeze %dma_wait3A_604 : memref<1x1000xf32, #tpu.memory_space<hbm>> -> memref<1000xf32, #tpu.memory_space<hbm>>
    tpu.wait_dma2 semaphore(%arg23 : memref<!tpu.dma_semaphore, #tpu.memory_space<semaphore_mem>>) src(%dma_wait3A_605 : memref<1000xf32, #tpu.memory_space<hbm>>) dst(%dma_wait3A_602 : memref<1000xf32, #tpu.memory_space<vmem>>)
    %dma_wait3A_606 = arith.constant 4 : i32
    %dma_wait3A_607 = arith.constant 4000 : i32
    %dma_wait3A_608 = tpu.memref_slice %arg20[%dma_wait3A_607] : memref<16000xf32, #tpu.memory_space<vmem>> -> memref<1000xf32, #tpu.memory_space<vmem>>
    %dma_wait3A_609 = arith.constant 0 : i32
    %dma_wait3A_610 = tpu.memref_slice %arg9[%dma_wait3A_606, %dma_wait3A_609] : memref<16x1000xf32, #tpu.memory_space<hbm>> -> memref<1x1000xf32, #tpu.memory_space<hbm>>
    %dma_wait3A_611 = tpu.memref_squeeze %dma_wait3A_610 : memref<1x1000xf32, #tpu.memory_space<hbm>> -> memref<1000xf32, #tpu.memory_space<hbm>>
    %dma_wait3A_612 = arith.constant 4000 : i32
    %dma_wait3A_613 = tpu.memref_slice %arg20[%dma_wait3A_612] : memref<16000xf32, #tpu.memory_space<vmem>> -> memref<1000xf32, #tpu.memory_space<vmem>>
    %dma_wait3A_614 = arith.constant 0 : i32
    %dma_wait3A_615 = tpu.memref_slice %arg9[%dma_wait3A_606, %dma_wait3A_614] : memref<16x1000xf32, #tpu.memory_space<hbm>> -> memref<1x1000xf32, #tpu.memory_space<hbm>>
    %dma_wait3A_616 = tpu.memref_squeeze %dma_wait3A_615 : memref<1x1000xf32, #tpu.memory_space<hbm>> -> memref<1000xf32, #tpu.memory_space<hbm>>
    tpu.wait_dma2 semaphore(%arg23 : memref<!tpu.dma_semaphore, #tpu.memory_space<semaphore_mem>>) src(%dma_wait3A_616 : memref<1000xf32, #tpu.memory_space<hbm>>) dst(%dma_wait3A_613 : memref<1000xf32, #tpu.memory_space<vmem>>)
    %dma_wait3A_617 = arith.constant 5 : i32
    %dma_wait3A_618 = arith.constant 5000 : i32
    %dma_wait3A_619 = tpu.memref_slice %arg20[%dma_wait3A_618] : memref<16000xf32, #tpu.memory_space<vmem>> -> memref<1000xf32, #tpu.memory_space<vmem>>
    %dma_wait3A_620 = arith.constant 0 : i32
    %dma_wait3A_621 = tpu.memref_slice %arg9[%dma_wait3A_617, %dma_wait3A_620] : memref<16x1000xf32, #tpu.memory_space<hbm>> -> memref<1x1000xf32, #tpu.memory_space<hbm>>
    %dma_wait3A_622 = tpu.memref_squeeze %dma_wait3A_621 : memref<1x1000xf32, #tpu.memory_space<hbm>> -> memref<1000xf32, #tpu.memory_space<hbm>>
    %dma_wait3A_623 = arith.constant 5000 : i32
    %dma_wait3A_624 = tpu.memref_slice %arg20[%dma_wait3A_623] : memref<16000xf32, #tpu.memory_space<vmem>> -> memref<1000xf32, #tpu.memory_space<vmem>>
    %dma_wait3A_625 = arith.constant 0 : i32
    %dma_wait3A_626 = tpu.memref_slice %arg9[%dma_wait3A_617, %dma_wait3A_625] : memref<16x1000xf32, #tpu.memory_space<hbm>> -> memref<1x1000xf32, #tpu.memory_space<hbm>>
    %dma_wait3A_627 = tpu.memref_squeeze %dma_wait3A_626 : memref<1x1000xf32, #tpu.memory_space<hbm>> -> memref<1000xf32, #tpu.memory_space<hbm>>
    tpu.wait_dma2 semaphore(%arg23 : memref<!tpu.dma_semaphore, #tpu.memory_space<semaphore_mem>>) src(%dma_wait3A_627 : memref<1000xf32, #tpu.memory_space<hbm>>) dst(%dma_wait3A_624 : memref<1000xf32, #tpu.memory_space<vmem>>)
    %dma_wait3A_628 = arith.constant 6 : i32
    %dma_wait3A_629 = arith.constant 6000 : i32
    %dma_wait3A_630 = tpu.memref_slice %arg20[%dma_wait3A_629] : memref<16000xf32, #tpu.memory_space<vmem>> -> memref<1000xf32, #tpu.memory_space<vmem>>
    %dma_wait3A_631 = arith.constant 0 : i32
    %dma_wait3A_632 = tpu.memref_slice %arg9[%dma_wait3A_628, %dma_wait3A_631] : memref<16x1000xf32, #tpu.memory_space<hbm>> -> memref<1x1000xf32, #tpu.memory_space<hbm>>
    %dma_wait3A_633 = tpu.memref_squeeze %dma_wait3A_632 : memref<1x1000xf32, #tpu.memory_space<hbm>> -> memref<1000xf32, #tpu.memory_space<hbm>>
    %dma_wait3A_634 = arith.constant 6000 : i32
    %dma_wait3A_635 = tpu.memref_slice %arg20[%dma_wait3A_634] : memref<16000xf32, #tpu.memory_space<vmem>> -> memref<1000xf32, #tpu.memory_space<vmem>>
    %dma_wait3A_636 = arith.constant 0 : i32
    %dma_wait3A_637 = tpu.memref_slice %arg9[%dma_wait3A_628, %dma_wait3A_636] : memref<16x1000xf32, #tpu.memory_space<hbm>> -> memref<1x1000xf32, #tpu.memory_space<hbm>>
    %dma_wait3A_638 = tpu.memref_squeeze %dma_wait3A_637 : memref<1x1000xf32, #tpu.memory_space<hbm>> -> memref<1000xf32, #tpu.memory_space<hbm>>
    tpu.wait_dma2 semaphore(%arg23 : memref<!tpu.dma_semaphore, #tpu.memory_space<semaphore_mem>>) src(%dma_wait3A_638 : memref<1000xf32, #tpu.memory_space<hbm>>) dst(%dma_wait3A_635 : memref<1000xf32, #tpu.memory_space<vmem>>)
    %dma_wait3A_639 = arith.constant 7 : i32
    %dma_wait3A_640 = arith.constant 7000 : i32
    %dma_wait3A_641 = tpu.memref_slice %arg20[%dma_wait3A_640] : memref<16000xf32, #tpu.memory_space<vmem>> -> memref<1000xf32, #tpu.memory_space<vmem>>
    %dma_wait3A_642 = arith.constant 0 : i32
    %dma_wait3A_643 = tpu.memref_slice %arg9[%dma_wait3A_639, %dma_wait3A_642] : memref<16x1000xf32, #tpu.memory_space<hbm>> -> memref<1x1000xf32, #tpu.memory_space<hbm>>
    %dma_wait3A_644 = tpu.memref_squeeze %dma_wait3A_643 : memref<1x1000xf32, #tpu.memory_space<hbm>> -> memref<1000xf32, #tpu.memory_space<hbm>>
    %dma_wait3A_645 = arith.constant 7000 : i32
    %dma_wait3A_646 = tpu.memref_slice %arg20[%dma_wait3A_645] : memref<16000xf32, #tpu.memory_space<vmem>> -> memref<1000xf32, #tpu.memory_space<vmem>>
    %dma_wait3A_647 = arith.constant 0 : i32
    %dma_wait3A_648 = tpu.memref_slice %arg9[%dma_wait3A_639, %dma_wait3A_647] : memref<16x1000xf32, #tpu.memory_space<hbm>> -> memref<1x1000xf32, #tpu.memory_space<hbm>>
    %dma_wait3A_649 = tpu.memref_squeeze %dma_wait3A_648 : memref<1x1000xf32, #tpu.memory_space<hbm>> -> memref<1000xf32, #tpu.memory_space<hbm>>
    tpu.wait_dma2 semaphore(%arg23 : memref<!tpu.dma_semaphore, #tpu.memory_space<semaphore_mem>>) src(%dma_wait3A_649 : memref<1000xf32, #tpu.memory_space<hbm>>) dst(%dma_wait3A_646 : memref<1000xf32, #tpu.memory_space<vmem>>)
    %dma_wait3A_650 = arith.constant 8 : i32
    %dma_wait3A_651 = arith.constant 8000 : i32
    %dma_wait3A_652 = tpu.memref_slice %arg20[%dma_wait3A_651] : memref<16000xf32, #tpu.memory_space<vmem>> -> memref<1000xf32, #tpu.memory_space<vmem>>
    %dma_wait3A_653 = arith.constant 0 : i32
    %dma_wait3A_654 = tpu.memref_slice %arg9[%dma_wait3A_650, %dma_wait3A_653] : memref<16x1000xf32, #tpu.memory_space<hbm>> -> memref<1x1000xf32, #tpu.memory_space<hbm>>
    %dma_wait3A_655 = tpu.memref_squeeze %dma_wait3A_654 : memref<1x1000xf32, #tpu.memory_space<hbm>> -> memref<1000xf32, #tpu.memory_space<hbm>>
    %dma_wait3A_656 = arith.constant 8000 : i32
    %dma_wait3A_657 = tpu.memref_slice %arg20[%dma_wait3A_656] : memref<16000xf32, #tpu.memory_space<vmem>> -> memref<1000xf32, #tpu.memory_space<vmem>>
    %dma_wait3A_658 = arith.constant 0 : i32
    %dma_wait3A_659 = tpu.memref_slice %arg9[%dma_wait3A_650, %dma_wait3A_658] : memref<16x1000xf32, #tpu.memory_space<hbm>> -> memref<1x1000xf32, #tpu.memory_space<hbm>>
    %dma_wait3A_660 = tpu.memref_squeeze %dma_wait3A_659 : memref<1x1000xf32, #tpu.memory_space<hbm>> -> memref<1000xf32, #tpu.memory_space<hbm>>
    tpu.wait_dma2 semaphore(%arg23 : memref<!tpu.dma_semaphore, #tpu.memory_space<semaphore_mem>>) src(%dma_wait3A_660 : memref<1000xf32, #tpu.memory_space<hbm>>) dst(%dma_wait3A_657 : memref<1000xf32, #tpu.memory_space<vmem>>)
    %dma_wait3A_661 = arith.constant 9 : i32
    %dma_wait3A_662 = arith.constant 9000 : i32
    %dma_wait3A_663 = tpu.memref_slice %arg20[%dma_wait3A_662] : memref<16000xf32, #tpu.memory_space<vmem>> -> memref<1000xf32, #tpu.memory_space<vmem>>
    %dma_wait3A_664 = arith.constant 0 : i32
    %dma_wait3A_665 = tpu.memref_slice %arg9[%dma_wait3A_661, %dma_wait3A_664] : memref<16x1000xf32, #tpu.memory_space<hbm>> -> memref<1x1000xf32, #tpu.memory_space<hbm>>
    %dma_wait3A_666 = tpu.memref_squeeze %dma_wait3A_665 : memref<1x1000xf32, #tpu.memory_space<hbm>> -> memref<1000xf32, #tpu.memory_space<hbm>>
    %dma_wait3A_667 = arith.constant 9000 : i32
    %dma_wait3A_668 = tpu.memref_slice %arg20[%dma_wait3A_667] : memref<16000xf32, #tpu.memory_space<vmem>> -> memref<1000xf32, #tpu.memory_space<vmem>>
    %dma_wait3A_669 = arith.constant 0 : i32
    %dma_wait3A_670 = tpu.memref_slice %arg9[%dma_wait3A_661, %dma_wait3A_669] : memref<16x1000xf32, #tpu.memory_space<hbm>> -> memref<1x1000xf32, #tpu.memory_space<hbm>>
    %dma_wait3A_671 = tpu.memref_squeeze %dma_wait3A_670 : memref<1x1000xf32, #tpu.memory_space<hbm>> -> memref<1000xf32, #tpu.memory_space<hbm>>
    tpu.wait_dma2 semaphore(%arg23 : memref<!tpu.dma_semaphore, #tpu.memory_space<semaphore_mem>>) src(%dma_wait3A_671 : memref<1000xf32, #tpu.memory_space<hbm>>) dst(%dma_wait3A_668 : memref<1000xf32, #tpu.memory_space<vmem>>)
    %dma_wait3A_672 = arith.constant 10 : i32
    %dma_wait3A_673 = arith.constant 10000 : i32
    %dma_wait3A_674 = tpu.memref_slice %arg20[%dma_wait3A_673] : memref<16000xf32, #tpu.memory_space<vmem>> -> memref<1000xf32, #tpu.memory_space<vmem>>
    %dma_wait3A_675 = arith.constant 0 : i32
    %dma_wait3A_676 = tpu.memref_slice %arg9[%dma_wait3A_672, %dma_wait3A_675] : memref<16x1000xf32, #tpu.memory_space<hbm>> -> memref<1x1000xf32, #tpu.memory_space<hbm>>
    %dma_wait3A_677 = tpu.memref_squeeze %dma_wait3A_676 : memref<1x1000xf32, #tpu.memory_space<hbm>> -> memref<1000xf32, #tpu.memory_space<hbm>>
    %dma_wait3A_678 = arith.constant 10000 : i32
    %dma_wait3A_679 = tpu.memref_slice %arg20[%dma_wait3A_678] : memref<16000xf32, #tpu.memory_space<vmem>> -> memref<1000xf32, #tpu.memory_space<vmem>>
    %dma_wait3A_680 = arith.constant 0 : i32
    %dma_wait3A_681 = tpu.memref_slice %arg9[%dma_wait3A_672, %dma_wait3A_680] : memref<16x1000xf32, #tpu.memory_space<hbm>> -> memref<1x1000xf32, #tpu.memory_space<hbm>>
    %dma_wait3A_682 = tpu.memref_squeeze %dma_wait3A_681 : memref<1x1000xf32, #tpu.memory_space<hbm>> -> memref<1000xf32, #tpu.memory_space<hbm>>
    tpu.wait_dma2 semaphore(%arg23 : memref<!tpu.dma_semaphore, #tpu.memory_space<semaphore_mem>>) src(%dma_wait3A_682 : memref<1000xf32, #tpu.memory_space<hbm>>) dst(%dma_wait3A_679 : memref<1000xf32, #tpu.memory_space<vmem>>)
    %dma_wait3A_683 = arith.constant 11 : i32
    %dma_wait3A_684 = arith.constant 11000 : i32
    %dma_wait3A_685 = tpu.memref_slice %arg20[%dma_wait3A_684] : memref<16000xf32, #tpu.memory_space<vmem>> -> memref<1000xf32, #tpu.memory_space<vmem>>
    %dma_wait3A_686 = arith.constant 0 : i32
    %dma_wait3A_687 = tpu.memref_slice %arg9[%dma_wait3A_683, %dma_wait3A_686] : memref<16x1000xf32, #tpu.memory_space<hbm>> -> memref<1x1000xf32, #tpu.memory_space<hbm>>
    %dma_wait3A_688 = tpu.memref_squeeze %dma_wait3A_687 : memref<1x1000xf32, #tpu.memory_space<hbm>> -> memref<1000xf32, #tpu.memory_space<hbm>>
    %dma_wait3A_689 = arith.constant 11000 : i32
    %dma_wait3A_690 = tpu.memref_slice %arg20[%dma_wait3A_689] : memref<16000xf32, #tpu.memory_space<vmem>> -> memref<1000xf32, #tpu.memory_space<vmem>>
    %dma_wait3A_691 = arith.constant 0 : i32
    %dma_wait3A_692 = tpu.memref_slice %arg9[%dma_wait3A_683, %dma_wait3A_691] : memref<16x1000xf32, #tpu.memory_space<hbm>> -> memref<1x1000xf32, #tpu.memory_space<hbm>>
    %dma_wait3A_693 = tpu.memref_squeeze %dma_wait3A_692 : memref<1x1000xf32, #tpu.memory_space<hbm>> -> memref<1000xf32, #tpu.memory_space<hbm>>
    tpu.wait_dma2 semaphore(%arg23 : memref<!tpu.dma_semaphore, #tpu.memory_space<semaphore_mem>>) src(%dma_wait3A_693 : memref<1000xf32, #tpu.memory_space<hbm>>) dst(%dma_wait3A_690 : memref<1000xf32, #tpu.memory_space<vmem>>)
    %dma_wait3A_694 = arith.constant 12 : i32
    %dma_wait3A_695 = arith.constant 12000 : i32
    %dma_wait3A_696 = tpu.memref_slice %arg20[%dma_wait3A_695] : memref<16000xf32, #tpu.memory_space<vmem>> -> memref<1000xf32, #tpu.memory_space<vmem>>
    %dma_wait3A_697 = arith.constant 0 : i32
    %dma_wait3A_698 = tpu.memref_slice %arg9[%dma_wait3A_694, %dma_wait3A_697] : memref<16x1000xf32, #tpu.memory_space<hbm>> -> memref<1x1000xf32, #tpu.memory_space<hbm>>
    %dma_wait3A_699 = tpu.memref_squeeze %dma_wait3A_698 : memref<1x1000xf32, #tpu.memory_space<hbm>> -> memref<1000xf32, #tpu.memory_space<hbm>>
    %dma_wait3A_700 = arith.constant 12000 : i32
    %dma_wait3A_701 = tpu.memref_slice %arg20[%dma_wait3A_700] : memref<16000xf32, #tpu.memory_space<vmem>> -> memref<1000xf32, #tpu.memory_space<vmem>>
    %dma_wait3A_702 = arith.constant 0 : i32
    %dma_wait3A_703 = tpu.memref_slice %arg9[%dma_wait3A_694, %dma_wait3A_702] : memref<16x1000xf32, #tpu.memory_space<hbm>> -> memref<1x1000xf32, #tpu.memory_space<hbm>>
    %dma_wait3A_704 = tpu.memref_squeeze %dma_wait3A_703 : memref<1x1000xf32, #tpu.memory_space<hbm>> -> memref<1000xf32, #tpu.memory_space<hbm>>
    tpu.wait_dma2 semaphore(%arg23 : memref<!tpu.dma_semaphore, #tpu.memory_space<semaphore_mem>>) src(%dma_wait3A_704 : memref<1000xf32, #tpu.memory_space<hbm>>) dst(%dma_wait3A_701 : memref<1000xf32, #tpu.memory_space<vmem>>)
    %dma_wait3A_705 = arith.constant 13 : i32
    %dma_wait3A_706 = arith.constant 13000 : i32
    %dma_wait3A_707 = tpu.memref_slice %arg20[%dma_wait3A_706] : memref<16000xf32, #tpu.memory_space<vmem>> -> memref<1000xf32, #tpu.memory_space<vmem>>
    %dma_wait3A_708 = arith.constant 0 : i32
    %dma_wait3A_709 = tpu.memref_slice %arg9[%dma_wait3A_705, %dma_wait3A_708] : memref<16x1000xf32, #tpu.memory_space<hbm>> -> memref<1x1000xf32, #tpu.memory_space<hbm>>
    %dma_wait3A_710 = tpu.memref_squeeze %dma_wait3A_709 : memref<1x1000xf32, #tpu.memory_space<hbm>> -> memref<1000xf32, #tpu.memory_space<hbm>>
    %dma_wait3A_711 = arith.constant 13000 : i32
    %dma_wait3A_712 = tpu.memref_slice %arg20[%dma_wait3A_711] : memref<16000xf32, #tpu.memory_space<vmem>> -> memref<1000xf32, #tpu.memory_space<vmem>>
    %dma_wait3A_713 = arith.constant 0 : i32
    %dma_wait3A_714 = tpu.memref_slice %arg9[%dma_wait3A_705, %dma_wait3A_713] : memref<16x1000xf32, #tpu.memory_space<hbm>> -> memref<1x1000xf32, #tpu.memory_space<hbm>>
    %dma_wait3A_715 = tpu.memref_squeeze %dma_wait3A_714 : memref<1x1000xf32, #tpu.memory_space<hbm>> -> memref<1000xf32, #tpu.memory_space<hbm>>
    tpu.wait_dma2 semaphore(%arg23 : memref<!tpu.dma_semaphore, #tpu.memory_space<semaphore_mem>>) src(%dma_wait3A_715 : memref<1000xf32, #tpu.memory_space<hbm>>) dst(%dma_wait3A_712 : memref<1000xf32, #tpu.memory_space<vmem>>)
    %dma_wait3A_716 = arith.constant 14 : i32
    %dma_wait3A_717 = arith.constant 14000 : i32
    %dma_wait3A_718 = tpu.memref_slice %arg20[%dma_wait3A_717] : memref<16000xf32, #tpu.memory_space<vmem>> -> memref<1000xf32, #tpu.memory_space<vmem>>
    %dma_wait3A_719 = arith.constant 0 : i32
    %dma_wait3A_720 = tpu.memref_slice %arg9[%dma_wait3A_716, %dma_wait3A_719] : memref<16x1000xf32, #tpu.memory_space<hbm>> -> memref<1x1000xf32, #tpu.memory_space<hbm>>
    %dma_wait3A_721 = tpu.memref_squeeze %dma_wait3A_720 : memref<1x1000xf32, #tpu.memory_space<hbm>> -> memref<1000xf32, #tpu.memory_space<hbm>>
    %dma_wait3A_722 = arith.constant 14000 : i32
    %dma_wait3A_723 = tpu.memref_slice %arg20[%dma_wait3A_722] : memref<16000xf32, #tpu.memory_space<vmem>> -> memref<1000xf32, #tpu.memory_space<vmem>>
    %dma_wait3A_724 = arith.constant 0 : i32
    %dma_wait3A_725 = tpu.memref_slice %arg9[%dma_wait3A_716, %dma_wait3A_724] : memref<16x1000xf32, #tpu.memory_space<hbm>> -> memref<1x1000xf32, #tpu.memory_space<hbm>>
    %dma_wait3A_726 = tpu.memref_squeeze %dma_wait3A_725 : memref<1x1000xf32, #tpu.memory_space<hbm>> -> memref<1000xf32, #tpu.memory_space<hbm>>
    tpu.wait_dma2 semaphore(%arg23 : memref<!tpu.dma_semaphore, #tpu.memory_space<semaphore_mem>>) src(%dma_wait3A_726 : memref<1000xf32, #tpu.memory_space<hbm>>) dst(%dma_wait3A_723 : memref<1000xf32, #tpu.memory_space<vmem>>)
    %dma_wait3A_727 = arith.constant 15 : i32
    %dma_wait3A_728 = arith.constant 15000 : i32
    %dma_wait3A_729 = tpu.memref_slice %arg20[%dma_wait3A_728] : memref<16000xf32, #tpu.memory_space<vmem>> -> memref<1000xf32, #tpu.memory_space<vmem>>
    %dma_wait3A_730 = arith.constant 0 : i32
    %dma_wait3A_731 = tpu.memref_slice %arg9[%dma_wait3A_727, %dma_wait3A_730] : memref<16x1000xf32, #tpu.memory_space<hbm>> -> memref<1x1000xf32, #tpu.memory_space<hbm>>
    %dma_wait3A_732 = tpu.memref_squeeze %dma_wait3A_731 : memref<1x1000xf32, #tpu.memory_space<hbm>> -> memref<1000xf32, #tpu.memory_space<hbm>>
    %dma_wait3A_733 = arith.constant 15000 : i32
    %dma_wait3A_734 = tpu.memref_slice %arg20[%dma_wait3A_733] : memref<16000xf32, #tpu.memory_space<vmem>> -> memref<1000xf32, #tpu.memory_space<vmem>>
    %dma_wait3A_735 = arith.constant 0 : i32
    %dma_wait3A_736 = tpu.memref_slice %arg9[%dma_wait3A_727, %dma_wait3A_735] : memref<16x1000xf32, #tpu.memory_space<hbm>> -> memref<1x1000xf32, #tpu.memory_space<hbm>>
    %dma_wait3A_737 = tpu.memref_squeeze %dma_wait3A_736 : memref<1x1000xf32, #tpu.memory_space<hbm>> -> memref<1000xf32, #tpu.memory_space<hbm>>
    tpu.wait_dma2 semaphore(%arg23 : memref<!tpu.dma_semaphore, #tpu.memory_space<semaphore_mem>>) src(%dma_wait3A_737 : memref<1000xf32, #tpu.memory_space<hbm>>) dst(%dma_wait3A_734 : memref<1000xf32, #tpu.memory_space<vmem>>)
    %iota3A = tpu.iota {dimensions = array<i32: 0>} : vector<16xi32>
    %scan3A = arith.constant 0 : i32
    %scan3A_738 = arith.constant 5.000000e-02 : f32
    %scan3A_739 = arith.constant 0 : i32
    %scan3A_740 = arith.constant 32 : i32
    %scan3A_741 = arith.addi %scan3A_739, %scan3A_740 : i32
    %scan3A_742 = arith.constant 1 : i32
    scf.for %scan3A_768 = %scan3A_739 to %scan3A_741 step %scan3A_742  : i32 {
      %mul3A_769 = arith.constant 16 : i32
      %mul3A_770 = arith.muli %scan3A_768, %mul3A_769 : i32
      %add3A_771 = vector.broadcast %mul3A_770 : i32 to vector<16xi32>
      %add3A_772 = arith.addi %add3A_771, %iota3A : vector<16xi32>
      %mul3A_773 = arith.constant 128 : i32
      %mul3A_774 = vector.broadcast %mul3A_773 : i32 to vector<16xi32>
      %mul3A_775 = arith.muli %add3A_772, %mul3A_774 : vector<16xi32>
      %broadcast_in_dim3A_776 = arith.constant 0.000000e+00 : f32
      %broadcast_in_dim3A_777 = vector.broadcast %broadcast_in_dim3A_776 : f32 to vector<16xf32>
      %broadcast_in_dim3A_778 = arith.constant 0.000000e+00 : f32
      %broadcast_in_dim3A_779 = vector.broadcast %broadcast_in_dim3A_778 : f32 to vector<16xf32>
      %broadcast_in_dim3A_780 = arith.constant 0.000000e+00 : f32
      %broadcast_in_dim3A_781 = vector.broadcast %broadcast_in_dim3A_780 : f32 to vector<16xf32>
      %broadcast_in_dim3A_782 = arith.constant 0.000000e+00 : f32
      %broadcast_in_dim3A_783 = vector.broadcast %broadcast_in_dim3A_782 : f32 to vector<16xf32>
      %broadcast_in_dim3A_784 = arith.constant 0.000000e+00 : f32
      %broadcast_in_dim3A_785 = vector.broadcast %broadcast_in_dim3A_784 : f32 to vector<16xf32>
      %broadcast_in_dim3A_786 = arith.constant 0.000000e+00 : f32
      %broadcast_in_dim3A_787 = vector.broadcast %broadcast_in_dim3A_786 : f32 to vector<16xf32>
      %broadcast_in_dim3A_788 = arith.constant 0.000000e+00 : f32
      %broadcast_in_dim3A_789 = vector.broadcast %broadcast_in_dim3A_788 : f32 to vector<16xf32>
      %broadcast_in_dim3A_790 = arith.constant 0.000000e+00 : f32
      %broadcast_in_dim3A_791 = vector.broadcast %broadcast_in_dim3A_790 : f32 to vector<16xf32>
      %broadcast_in_dim3A_792 = arith.constant 0.000000e+00 : f32
      %broadcast_in_dim3A_793 = vector.broadcast %broadcast_in_dim3A_792 : f32 to vector<16xf32>
      %broadcast_in_dim3A_794 = arith.constant 0.000000e+00 : f32
      %broadcast_in_dim3A_795 = vector.broadcast %broadcast_in_dim3A_794 : f32 to vector<16xf32>
      %broadcast_in_dim3A_796 = arith.constant 0.000000e+00 : f32
      %broadcast_in_dim3A_797 = vector.broadcast %broadcast_in_dim3A_796 : f32 to vector<16xf32>
      %broadcast_in_dim3A_798 = arith.constant 0.000000e+00 : f32
      %broadcast_in_dim3A_799 = vector.broadcast %broadcast_in_dim3A_798 : f32 to vector<16xf32>
      %broadcast_in_dim3A_800 = arith.constant 0.000000e+00 : f32
      %broadcast_in_dim3A_801 = vector.broadcast %broadcast_in_dim3A_800 : f32 to vector<16xf32>
      %broadcast_in_dim3A_802 = arith.constant 0.000000e+00 : f32
      %broadcast_in_dim3A_803 = vector.broadcast %broadcast_in_dim3A_802 : f32 to vector<16xf32>
      %broadcast_in_dim3A_804 = arith.constant 0.000000e+00 : f32
      %broadcast_in_dim3A_805 = vector.broadcast %broadcast_in_dim3A_804 : f32 to vector<16xf32>
      %broadcast_in_dim3A_806 = arith.constant 0.000000e+00 : f32
      %broadcast_in_dim3A_807 = vector.broadcast %broadcast_in_dim3A_806 : f32 to vector<16xf32>
      %scan3A_808 = arith.constant 0 : i32
      %scan3A_809 = arith.constant 20 : i32
      %scan3A_810 = arith.addi %scan3A_808, %scan3A_809 : i32
      %scan3A_811 = arith.constant 1 : i32
      %scan3A_812:16 = scf.for %scan3A_942 = %scan3A_808 to %scan3A_810 step %scan3A_811 iter_args(%scan3A_943 = %broadcast_in_dim3A_777, %scan3A_944 = %broadcast_in_dim3A_779, %scan3A_945 = %broadcast_in_dim3A_781, %scan3A_946 = %broadcast_in_dim3A_783, %scan3A_947 = %broadcast_in_dim3A_785, %scan3A_948 = %broadcast_in_dim3A_787, %scan3A_949 = %broadcast_in_dim3A_789, %scan3A_950 = %broadcast_in_dim3A_791, %scan3A_951 = %broadcast_in_dim3A_793, %scan3A_952 = %broadcast_in_dim3A_795, %scan3A_953 = %broadcast_in_dim3A_797, %scan3A_954 = %broadcast_in_dim3A_799, %scan3A_955 = %broadcast_in_dim3A_801, %scan3A_956 = %broadcast_in_dim3A_803, %scan3A_957 = %broadcast_in_dim3A_805, %scan3A_958 = %broadcast_in_dim3A_807) -> (vector<16xf32>, vector<16xf32>, vector<16xf32>, vector<16xf32>, vector<16xf32>, vector<16xf32>, vector<16xf32>, vector<16xf32>, vector<16xf32>, vector<16xf32>, vector<16xf32>, vector<16xf32>, vector<16xf32>, vector<16xf32>, vector<16xf32>, vector<16xf32>)  : i32 {
        %mul3A_959 = arith.constant 512 : i32
        %mul3A_960 = arith.muli %scan3A_942, %mul3A_959 : i32
        %mul3A_961 = arith.constant 16 : i32
        %mul3A_962 = arith.muli %scan3A_768, %mul3A_961 : i32
        %add3A_963 = arith.addi %mul3A_960, %mul3A_962 : i32
        %get3A = arith.index_cast %add3A_963 : i32 to index
        %get3A_964 = tpu.vector_load %arg15[%get3A] {strides = array<i32>} : memref<10240xi32, #tpu.memory_space<vmem>>, vector<16xi32>,
        %add3A_965 = arith.constant 0 : i32
        %add3A_966 = vector.broadcast %add3A_965 : i32 to vector<16xi32>
        %add3A_967 = arith.addi %get3A_964, %add3A_966 : vector<16xi32>
        %gather3A = tpu.vector_load_idx %arg20[%add3A_967] : memref<16000xf32, #tpu.memory_space<vmem>>[vector<16xi32>], vector<16xf32>,
        %add3A_968 = arith.addf %scan3A_943, %gather3A : vector<16xf32>
        %add3A_969 = arith.constant 1000 : i32
        %add3A_970 = vector.broadcast %add3A_969 : i32 to vector<16xi32>
        %add3A_971 = arith.addi %get3A_964, %add3A_970 : vector<16xi32>
        %gather3A_972 = tpu.vector_load_idx %arg20[%add3A_971] : memref<16000xf32, #tpu.memory_space<vmem>>[vector<16xi32>], vector<16xf32>,
        %add3A_973 = arith.addf %scan3A_944, %gather3A_972 : vector<16xf32>
        %add3A_974 = arith.constant 2000 : i32
        %add3A_975 = vector.broadcast %add3A_974 : i32 to vector<16xi32>
        %add3A_976 = arith.addi %get3A_964, %add3A_975 : vector<16xi32>
        %gather3A_977 = tpu.vector_load_idx %arg20[%add3A_976] : memref<16000xf32, #tpu.memory_space<vmem>>[vector<16xi32>], vector<16xf32>,
        %add3A_978 = arith.addf %scan3A_945, %gather3A_977 : vector<16xf32>
        %add3A_979 = arith.constant 3000 : i32
        %add3A_980 = vector.broadcast %add3A_979 : i32 to vector<16xi32>
        %add3A_981 = arith.addi %get3A_964, %add3A_980 : vector<16xi32>
        %gather3A_982 = tpu.vector_load_idx %arg20[%add3A_981] : memref<16000xf32, #tpu.memory_space<vmem>>[vector<16xi32>], vector<16xf32>,
        %add3A_983 = arith.addf %scan3A_946, %gather3A_982 : vector<16xf32>
        %add3A_984 = arith.constant 4000 : i32
        %add3A_985 = vector.broadcast %add3A_984 : i32 to vector<16xi32>
        %add3A_986 = arith.addi %get3A_964, %add3A_985 : vector<16xi32>
        %gather3A_987 = tpu.vector_load_idx %arg20[%add3A_986] : memref<16000xf32, #tpu.memory_space<vmem>>[vector<16xi32>], vector<16xf32>,
        %add3A_988 = arith.addf %scan3A_947, %gather3A_987 : vector<16xf32>
        %add3A_989 = arith.constant 5000 : i32
        %add3A_990 = vector.broadcast %add3A_989 : i32 to vector<16xi32>
        %add3A_991 = arith.addi %get3A_964, %add3A_990 : vector<16xi32>
        %gather3A_992 = tpu.vector_load_idx %arg20[%add3A_991] : memref<16000xf32, #tpu.memory_space<vmem>>[vector<16xi32>], vector<16xf32>,
        %add3A_993 = arith.addf %scan3A_948, %gather3A_992 : vector<16xf32>
        %add3A_994 = arith.constant 6000 : i32
        %add3A_995 = vector.broadcast %add3A_994 : i32 to vector<16xi32>
        %add3A_996 = arith.addi %get3A_964, %add3A_995 : vector<16xi32>
        %gather3A_997 = tpu.vector_load_idx %arg20[%add3A_996] : memref<16000xf32, #tpu.memory_space<vmem>>[vector<16xi32>], vector<16xf32>,
        %add3A_998 = arith.addf %scan3A_949, %gather3A_997 : vector<16xf32>
        %add3A_999 = arith.constant 7000 : i32
        %add3A_1000 = vector.broadcast %add3A_999 : i32 to vector<16xi32>
        %add3A_1001 = arith.addi %get3A_964, %add3A_1000 : vector<16xi32>
        %gather3A_1002 = tpu.vector_load_idx %arg20[%add3A_1001] : memref<16000xf32, #tpu.memory_space<vmem>>[vector<16xi32>], vector<16xf32>,
        %add3A_1003 = arith.addf %scan3A_950, %gather3A_1002 : vector<16xf32>
        %add3A_1004 = arith.constant 8000 : i32
        %add3A_1005 = vector.broadcast %add3A_1004 : i32 to vector<16xi32>
        %add3A_1006 = arith.addi %get3A_964, %add3A_1005 : vector<16xi32>
        %gather3A_1007 = tpu.vector_load_idx %arg20[%add3A_1006] : memref<16000xf32, #tpu.memory_space<vmem>>[vector<16xi32>], vector<16xf32>,
        %add3A_1008 = arith.addf %scan3A_951, %gather3A_1007 : vector<16xf32>
        %add3A_1009 = arith.constant 9000 : i32
        %add3A_1010 = vector.broadcast %add3A_1009 : i32 to vector<16xi32>
        %add3A_1011 = arith.addi %get3A_964, %add3A_1010 : vector<16xi32>
        %gather3A_1012 = tpu.vector_load_idx %arg20[%add3A_1011] : memref<16000xf32, #tpu.memory_space<vmem>>[vector<16xi32>], vector<16xf32>,
        %add3A_1013 = arith.addf %scan3A_952, %gather3A_1012 : vector<16xf32>
        %add3A_1014 = arith.constant 10000 : i32
        %add3A_1015 = vector.broadcast %add3A_1014 : i32 to vector<16xi32>
        %add3A_1016 = arith.addi %get3A_964, %add3A_1015 : vector<16xi32>
        %gather3A_1017 = tpu.vector_load_idx %arg20[%add3A_1016] : memref<16000xf32, #tpu.memory_space<vmem>>[vector<16xi32>], vector<16xf32>,
        %add3A_1018 = arith.addf %scan3A_953, %gather3A_1017 : vector<16xf32>
        %add3A_1019 = arith.constant 11000 : i32
        %add3A_1020 = vector.broadcast %add3A_1019 : i32 to vector<16xi32>
        %add3A_1021 = arith.addi %get3A_964, %add3A_1020 : vector<16xi32>
        %gather3A_1022 = tpu.vector_load_idx %arg20[%add3A_1021] : memref<16000xf32, #tpu.memory_space<vmem>>[vector<16xi32>], vector<16xf32>,
        %add3A_1023 = arith.addf %scan3A_954, %gather3A_1022 : vector<16xf32>
        %add3A_1024 = arith.constant 12000 : i32
        %add3A_1025 = vector.broadcast %add3A_1024 : i32 to vector<16xi32>
        %add3A_1026 = arith.addi %get3A_964, %add3A_1025 : vector<16xi32>
        %gather3A_1027 = tpu.vector_load_idx %arg20[%add3A_1026] : memref<16000xf32, #tpu.memory_space<vmem>>[vector<16xi32>], vector<16xf32>,
        %add3A_1028 = arith.addf %scan3A_955, %gather3A_1027 : vector<16xf32>
        %add3A_1029 = arith.constant 13000 : i32
        %add3A_1030 = vector.broadcast %add3A_1029 : i32 to vector<16xi32>
        %add3A_1031 = arith.addi %get3A_964, %add3A_1030 : vector<16xi32>
        %gather3A_1032 = tpu.vector_load_idx %arg20[%add3A_1031] : memref<16000xf32, #tpu.memory_space<vmem>>[vector<16xi32>], vector<16xf32>,
        %add3A_1033 = arith.addf %scan3A_956, %gather3A_1032 : vector<16xf32>
        %add3A_1034 = arith.constant 14000 : i32
        %add3A_1035 = vector.broadcast %add3A_1034 : i32 to vector<16xi32>
        %add3A_1036 = arith.addi %get3A_964, %add3A_1035 : vector<16xi32>
        %gather3A_1037 = tpu.vector_load_idx %arg20[%add3A_1036] : memref<16000xf32, #tpu.memory_space<vmem>>[vector<16xi32>], vector<16xf32>,
        %add3A_1038 = arith.addf %scan3A_957, %gather3A_1037 : vector<16xf32>
        %add3A_1039 = arith.constant 15000 : i32
        %add3A_1040 = vector.broadcast %add3A_1039 : i32 to vector<16xi32>
        %add3A_1041 = arith.addi %get3A_964, %add3A_1040 : vector<16xi32>
        %gather3A_1042 = tpu.vector_load_idx %arg20[%add3A_1041] : memref<16000xf32, #tpu.memory_space<vmem>>[vector<16xi32>], vector<16xf32>,
        %add3A_1043 = arith.addf %scan3A_958, %gather3A_1042 : vector<16xf32>
        scf.yield %add3A_968, %add3A_973, %add3A_978, %add3A_983, %add3A_988, %add3A_993, %add3A_998, %add3A_1003, %add3A_1008, %add3A_1013, %add3A_1018, %add3A_1023, %add3A_1028, %add3A_1033, %add3A_1038, %add3A_1043 : vector<16xf32>, vector<16xf32>, vector<16xf32>, vector<16xf32>, vector<16xf32>, vector<16xf32>, vector<16xf32>, vector<16xf32>, vector<16xf32>, vector<16xf32>, vector<16xf32>, vector<16xf32>, vector<16xf32>, vector<16xf32>, vector<16xf32>, vector<16xf32>
      }
      %scan3A_813 = arith.constant 20 : i32
      %add3A_814 = arith.constant 32 : i32
      %add3A_815 = vector.broadcast %add3A_814 : i32 to vector<16xi32>
      %add3A_816 = arith.addi %mul3A_775, %add3A_815 : vector<16xi32>
      %add3A_817 = arith.constant 0 : i32
      %add3A_818 = vector.broadcast %add3A_817 : i32 to vector<16xi32>
      %add3A_819 = arith.addi %add3A_816, %add3A_818 : vector<16xi32>
      %mul3A_820 = vector.broadcast %scan3A_738 : f32 to vector<16xf32>
      %mul3A_821 = arith.mulf %scan3A_812#0, %mul3A_820 : vector<16xf32>
      tpu.vector_store_idx %arg21[%add3A_819], %mul3A_821 : memref<65536xf32, #tpu.memory_space<vmem>>[vector<16xi32>], vector<16xf32>,
      %add3A_822 = arith.constant 32 : i32
      %add3A_823 = vector.broadcast %add3A_822 : i32 to vector<16xi32>
      %add3A_824 = arith.addi %mul3A_775, %add3A_823 : vector<16xi32>
      %add3A_825 = arith.constant 1 : i32
      %add3A_826 = vector.broadcast %add3A_825 : i32 to vector<16xi32>
      %add3A_827 = arith.addi %add3A_824, %add3A_826 : vector<16xi32>
      %mul3A_828 = vector.broadcast %scan3A_738 : f32 to vector<16xf32>
      %mul3A_829 = arith.mulf %scan3A_812#1, %mul3A_828 : vector<16xf32>
      tpu.vector_store_idx %arg21[%add3A_827], %mul3A_829 : memref<65536xf32, #tpu.memory_space<vmem>>[vector<16xi32>], vector<16xf32>,
      %add3A_830 = arith.constant 32 : i32
      %add3A_831 = vector.broadcast %add3A_830 : i32 to vector<16xi32>
      %add3A_832 = arith.addi %mul3A_775, %add3A_831 : vector<16xi32>
      %add3A_833 = arith.constant 2 : i32
      %add3A_834 = vector.broadcast %add3A_833 : i32 to vector<16xi32>
      %add3A_835 = arith.addi %add3A_832, %add3A_834 : vector<16xi32>
      %mul3A_836 = vector.broadcast %scan3A_738 : f32 to vector<16xf32>
      %mul3A_837 = arith.mulf %scan3A_812#2, %mul3A_836 : vector<16xf32>
      tpu.vector_store_idx %arg21[%add3A_835], %mul3A_837 : memref<65536xf32, #tpu.memory_space<vmem>>[vector<16xi32>], vector<16xf32>,
      %add3A_838 = arith.constant 32 : i32
      %add3A_839 = vector.broadcast %add3A_838 : i32 to vector<16xi32>
      %add3A_840 = arith.addi %mul3A_775, %add3A_839 : vector<16xi32>
      %add3A_841 = arith.constant 3 : i32
      %add3A_842 = vector.broadcast %add3A_841 : i32 to vector<16xi32>
      %add3A_843 = arith.addi %add3A_840, %add3A_842 : vector<16xi32>
      %mul3A_844 = vector.broadcast %scan3A_738 : f32 to vector<16xf32>
      %mul3A_845 = arith.mulf %scan3A_812#3, %mul3A_844 : vector<16xf32>
      tpu.vector_store_idx %arg21[%add3A_843], %mul3A_845 : memref<65536xf32, #tpu.memory_space<vmem>>[vector<16xi32>], vector<16xf32>,
      %add3A_846 = arith.constant 32 : i32
      %add3A_847 = vector.broadcast %add3A_846 : i32 to vector<16xi32>
      %add3A_848 = arith.addi %mul3A_775, %add3A_847 : vector<16xi32>
      %add3A_849 = arith.constant 4 : i32
      %add3A_850 = vector.broadcast %add3A_849 : i32 to vector<16xi32>
      %add3A_851 = arith.addi %add3A_848, %add3A_850 : vector<16xi32>
      %mul3A_852 = vector.broadcast %scan3A_738 : f32 to vector<16xf32>
      %mul3A_853 = arith.mulf %scan3A_812#4, %mul3A_852 : vector<16xf32>
      tpu.vector_store_idx %arg21[%add3A_851], %mul3A_853 : memref<65536xf32, #tpu.memory_space<vmem>>[vector<16xi32>], vector<16xf32>,
      %add3A_854 = arith.constant 32 : i32
      %add3A_855 = vector.broadcast %add3A_854 : i32 to vector<16xi32>
      %add3A_856 = arith.addi %mul3A_775, %add3A_855 : vector<16xi32>
      %add3A_857 = arith.constant 5 : i32
      %add3A_858 = vector.broadcast %add3A_857 : i32 to vector<16xi32>
      %add3A_859 = arith.addi %add3A_856, %add3A_858 : vector<16xi32>
      %mul3A_860 = vector.broadcast %scan3A_738 : f32 to vector<16xf32>
      %mul3A_861 = arith.mulf %scan3A_812#5, %mul3A_860 : vector<16xf32>
      tpu.vector_store_idx %arg21[%add3A_859], %mul3A_861 : memref<65536xf32, #tpu.memory_space<vmem>>[vector<16xi32>], vector<16xf32>,
      %add3A_862 = arith.constant 32 : i32
      %add3A_863 = vector.broadcast %add3A_862 : i32 to vector<16xi32>
      %add3A_864 = arith.addi %mul3A_775, %add3A_863 : vector<16xi32>
      %add3A_865 = arith.constant 6 : i32
      %add3A_866 = vector.broadcast %add3A_865 : i32 to vector<16xi32>
      %add3A_867 = arith.addi %add3A_864, %add3A_866 : vector<16xi32>
      %mul3A_868 = vector.broadcast %scan3A_738 : f32 to vector<16xf32>
      %mul3A_869 = arith.mulf %scan3A_812#6, %mul3A_868 : vector<16xf32>
      tpu.vector_store_idx %arg21[%add3A_867], %mul3A_869 : memref<65536xf32, #tpu.memory_space<vmem>>[vector<16xi32>], vector<16xf32>,
      %add3A_870 = arith.constant 32 : i32
      %add3A_871 = vector.broadcast %add3A_870 : i32 to vector<16xi32>
      %add3A_872 = arith.addi %mul3A_775, %add3A_871 : vector<16xi32>
      %add3A_873 = arith.constant 7 : i32
      %add3A_874 = vector.broadcast %add3A_873 : i32 to vector<16xi32>
      %add3A_875 = arith.addi %add3A_872, %add3A_874 : vector<16xi32>
      %mul3A_876 = vector.broadcast %scan3A_738 : f32 to vector<16xf32>
      %mul3A_877 = arith.mulf %scan3A_812#7, %mul3A_876 : vector<16xf32>
      tpu.vector_store_idx %arg21[%add3A_875], %mul3A_877 : memref<65536xf32, #tpu.memory_space<vmem>>[vector<16xi32>], vector<16xf32>,
      %add3A_878 = arith.constant 32 : i32
      %add3A_879 = vector.broadcast %add3A_878 : i32 to vector<16xi32>
      %add3A_880 = arith.addi %mul3A_775, %add3A_879 : vector<16xi32>
      %add3A_881 = arith.constant 8 : i32
      %add3A_882 = vector.broadcast %add3A_881 : i32 to vector<16xi32>
      %add3A_883 = arith.addi %add3A_880, %add3A_882 : vector<16xi32>
      %mul3A_884 = vector.broadcast %scan3A_738 : f32 to vector<16xf32>
      %mul3A_885 = arith.mulf %scan3A_812#8, %mul3A_884 : vector<16xf32>
      tpu.vector_store_idx %arg21[%add3A_883], %mul3A_885 : memref<65536xf32, #tpu.memory_space<vmem>>[vector<16xi32>], vector<16xf32>,
      %add3A_886 = arith.constant 32 : i32
      %add3A_887 = vector.broadcast %add3A_886 : i32 to vector<16xi32>
      %add3A_888 = arith.addi %mul3A_775, %add3A_887 : vector<16xi32>
      %add3A_889 = arith.constant 9 : i32
      %add3A_890 = vector.broadcast %add3A_889 : i32 to vector<16xi32>
      %add3A_891 = arith.addi %add3A_888, %add3A_890 : vector<16xi32>
      %mul3A_892 = vector.broadcast %scan3A_738 : f32 to vector<16xf32>
      %mul3A_893 = arith.mulf %scan3A_812#9, %mul3A_892 : vector<16xf32>
      tpu.vector_store_idx %arg21[%add3A_891], %mul3A_893 : memref<65536xf32, #tpu.memory_space<vmem>>[vector<16xi32>], vector<16xf32>,
      %add3A_894 = arith.constant 32 : i32
      %add3A_895 = vector.broadcast %add3A_894 : i32 to vector<16xi32>
      %add3A_896 = arith.addi %mul3A_775, %add3A_895 : vector<16xi32>
      %add3A_897 = arith.constant 10 : i32
      %add3A_898 = vector.broadcast %add3A_897 : i32 to vector<16xi32>
      %add3A_899 = arith.addi %add3A_896, %add3A_898 : vector<16xi32>
      %mul3A_900 = vector.broadcast %scan3A_738 : f32 to vector<16xf32>
      %mul3A_901 = arith.mulf %scan3A_812#10, %mul3A_900 : vector<16xf32>
      tpu.vector_store_idx %arg21[%add3A_899], %mul3A_901 : memref<65536xf32, #tpu.memory_space<vmem>>[vector<16xi32>], vector<16xf32>,
      %add3A_902 = arith.constant 32 : i32
      %add3A_903 = vector.broadcast %add3A_902 : i32 to vector<16xi32>
      %add3A_904 = arith.addi %mul3A_775, %add3A_903 : vector<16xi32>
      %add3A_905 = arith.constant 11 : i32
      %add3A_906 = vector.broadcast %add3A_905 : i32 to vector<16xi32>
      %add3A_907 = arith.addi %add3A_904, %add3A_906 : vector<16xi32>
      %mul3A_908 = vector.broadcast %scan3A_738 : f32 to vector<16xf32>
      %mul3A_909 = arith.mulf %scan3A_812#11, %mul3A_908 : vector<16xf32>
      tpu.vector_store_idx %arg21[%add3A_907], %mul3A_909 : memref<65536xf32, #tpu.memory_space<vmem>>[vector<16xi32>], vector<16xf32>,
      %add3A_910 = arith.constant 32 : i32
      %add3A_911 = vector.broadcast %add3A_910 : i32 to vector<16xi32>
      %add3A_912 = arith.addi %mul3A_775, %add3A_911 : vector<16xi32>
      %add3A_913 = arith.constant 12 : i32
      %add3A_914 = vector.broadcast %add3A_913 : i32 to vector<16xi32>
      %add3A_915 = arith.addi %add3A_912, %add3A_914 : vector<16xi32>
      %mul3A_916 = vector.broadcast %scan3A_738 : f32 to vector<16xf32>
      %mul3A_917 = arith.mulf %scan3A_812#12, %mul3A_916 : vector<16xf32>
      tpu.vector_store_idx %arg21[%add3A_915], %mul3A_917 : memref<65536xf32, #tpu.memory_space<vmem>>[vector<16xi32>], vector<16xf32>,
      %add3A_918 = arith.constant 32 : i32
      %add3A_919 = vector.broadcast %add3A_918 : i32 to vector<16xi32>
      %add3A_920 = arith.addi %mul3A_775, %add3A_919 : vector<16xi32>
      %add3A_921 = arith.constant 13 : i32
      %add3A_922 = vector.broadcast %add3A_921 : i32 to vector<16xi32>
      %add3A_923 = arith.addi %add3A_920, %add3A_922 : vector<16xi32>
      %mul3A_924 = vector.broadcast %scan3A_738 : f32 to vector<16xf32>
      %mul3A_925 = arith.mulf %scan3A_812#13, %mul3A_924 : vector<16xf32>
      tpu.vector_store_idx %arg21[%add3A_923], %mul3A_925 : memref<65536xf32, #tpu.memory_space<vmem>>[vector<16xi32>], vector<16xf32>,
      %add3A_926 = arith.constant 32 : i32
      %add3A_927 = vector.broadcast %add3A_926 : i32 to vector<16xi32>
      %add3A_928 = arith.addi %mul3A_775, %add3A_927 : vector<16xi32>
      %add3A_929 = arith.constant 14 : i32
      %add3A_930 = vector.broadcast %add3A_929 : i32 to vector<16xi32>
      %add3A_931 = arith.addi %add3A_928, %add3A_930 : vector<16xi32>
      %mul3A_932 = vector.broadcast %scan3A_738 : f32 to vector<16xf32>
      %mul3A_933 = arith.mulf %scan3A_812#14, %mul3A_932 : vector<16xf32>
      tpu.vector_store_idx %arg21[%add3A_931], %mul3A_933 : memref<65536xf32, #tpu.memory_space<vmem>>[vector<16xi32>], vector<16xf32>,
      %add3A_934 = arith.constant 32 : i32
      %add3A_935 = vector.broadcast %add3A_934 : i32 to vector<16xi32>
      %add3A_936 = arith.addi %mul3A_775, %add3A_935 : vector<16xi32>
      %add3A_937 = arith.constant 15 : i32
      %add3A_938 = vector.broadcast %add3A_937 : i32 to vector<16xi32>
      %add3A_939 = arith.addi %add3A_936, %add3A_938 : vector<16xi32>
      %mul3A_940 = vector.broadcast %scan3A_738 : f32 to vector<16xf32>
      %mul3A_941 = arith.mulf %scan3A_812#15, %mul3A_940 : vector<16xf32>
      tpu.vector_store_idx %arg21[%add3A_939], %mul3A_941 : memref<65536xf32, #tpu.memory_space<vmem>>[vector<16xi32>], vector<16xf32>,
    }
    %scan3A_743 = arith.constant 32 : i32
    %dma_wait3A_744 = arith.constant 0 : i32
    %dma_wait3A_745 = arith.constant 0 : i32
    %dma_wait3A_746 = tpu.memref_slice %arg7[%dma_wait3A_744, %dma_wait3A_745] : memref<1000000x16xf32, #tpu.memory_space<hbm>> -> memref<1000000x16xf32, #tpu.memory_space<hbm>>
    tpu.wait_indirect_dma semaphore(%arg22 : memref<!tpu.dma_semaphore, #tpu.memory_space<semaphore_mem>>) src(%dma_wait3A_746 : memref<1000000x16xf32, #tpu.memory_space<hbm>>) dst(%arg17 : memref<512x16xf32, #tpu.memory_space<vmem>>)
    %dma_wait3A_747 = arith.constant 0 : i32
    %dma_wait3A_748 = arith.constant 0 : i32
    %dma_wait3A_749 = tpu.memref_slice %arg8[%dma_wait3A_747, %dma_wait3A_748] : memref<100000x16xf32, #tpu.memory_space<hbm>> -> memref<100000x16xf32, #tpu.memory_space<hbm>>
    tpu.wait_indirect_dma semaphore(%arg22 : memref<!tpu.dma_semaphore, #tpu.memory_space<semaphore_mem>>) src(%dma_wait3A_749 : memref<100000x16xf32, #tpu.memory_space<hbm>>) dst(%arg18 : memref<512x16xf32, #tpu.memory_space<vmem>>)
    %dma_wait3A_750 = arith.constant 0 : i32
    %dma_wait3A_751 = arith.constant 0 : i32
    %dma_wait3A_752 = tpu.memref_slice %arg10[%dma_wait3A_750, %dma_wait3A_751] : memref<100000x16xf32, #tpu.memory_space<hbm>> -> memref<100000x16xf32, #tpu.memory_space<hbm>>
    tpu.wait_indirect_dma semaphore(%arg22 : memref<!tpu.dma_semaphore, #tpu.memory_space<semaphore_mem>>) src(%dma_wait3A_752 : memref<100000x16xf32, #tpu.memory_space<hbm>>) dst(%arg19 : memref<512x16xf32, #tpu.memory_space<vmem>>)
    %broadcast_in_dim3A = arith.constant 0.000000e+00 : f32
    %broadcast_in_dim3A_753 = vector.broadcast %broadcast_in_dim3A : f32 to vector<16xf32>
    %scan3A_754 = arith.constant 0 : i32
    %scan3A_755 = arith.constant 0 : i32
    %scan3A_756 = arith.constant 512 : i32
    %scan3A_757 = arith.addi %scan3A_755, %scan3A_756 : i32
    %scan3A_758 = arith.constant 1 : i32
    scf.for %scan3A_768 = %scan3A_755 to %scan3A_757 step %scan3A_758  : i32 {
      %mul3A_769 = arith.constant 128 : i32
      %mul3A_770 = arith.muli %scan3A_768, %mul3A_769 : i32
      %get3A = arith.index_cast %scan3A_768 : i32 to index
      %get3A_771 = arith.constant 0 : index
      %get3A_772 = tpu.vector_load %arg17[%get3A, %get3A_771] {strides = array<i32>} : memref<512x16xf32, #tpu.memory_space<vmem>>, vector<16xf32>,
      %swap3A = arith.index_cast %mul3A_770 : i32 to index
      %swap3A_773 = tpu.vector_load %arg21[%swap3A] {strides = array<i32>} : memref<65536xf32, #tpu.memory_space<vmem>>, vector<16xf32>,
      tpu.vector_store %arg21[%swap3A], %get3A_772 {strides = array<i32>} : memref<65536xf32, #tpu.memory_space<vmem>>, vector<16xf32>,
      %get3A_774 = arith.index_cast %scan3A_768 : i32 to index
      %get3A_775 = arith.constant 0 : index
      %get3A_776 = tpu.vector_load %arg18[%get3A_774, %get3A_775] {strides = array<i32>} : memref<512x16xf32, #tpu.memory_space<vmem>>, vector<16xf32>,
      %add3A_777 = arith.constant 16 : i32
      %add3A_778 = arith.addi %mul3A_770, %add3A_777 : i32
      %swap3A_779 = arith.index_cast %add3A_778 : i32 to index
      %swap3A_780 = tpu.vector_load %arg21[%swap3A_779] {strides = array<i32>} : memref<65536xf32, #tpu.memory_space<vmem>>, vector<16xf32>,
      tpu.vector_store %arg21[%swap3A_779], %get3A_776 {strides = array<i32>} : memref<65536xf32, #tpu.memory_space<vmem>>, vector<16xf32>,
      %get3A_781 = arith.index_cast %scan3A_768 : i32 to index
      %get3A_782 = arith.constant 0 : index
      %get3A_783 = tpu.vector_load %arg19[%get3A_781, %get3A_782] {strides = array<i32>} : memref<512x16xf32, #tpu.memory_space<vmem>>, vector<16xf32>,
      %add3A_784 = arith.constant 48 : i32
      %add3A_785 = arith.addi %mul3A_770, %add3A_784 : i32
      %swap3A_786 = arith.index_cast %add3A_785 : i32 to index
      %swap3A_787 = tpu.vector_load %arg21[%swap3A_786] {strides = array<i32>} : memref<65536xf32, #tpu.memory_space<vmem>>, vector<16xf32>,
      tpu.vector_store %arg21[%swap3A_786], %get3A_783 {strides = array<i32>} : memref<65536xf32, #tpu.memory_space<vmem>>, vector<16xf32>,
      %add3A_788 = arith.constant 64 : i32
      %add3A_789 = arith.addi %mul3A_770, %add3A_788 : i32
      %swap3A_790 = arith.index_cast %add3A_789 : i32 to index
      %swap3A_791 = tpu.vector_load %arg21[%swap3A_790] {strides = array<i32>} : memref<65536xf32, #tpu.memory_space<vmem>>, vector<16xf32>,
      tpu.vector_store %arg21[%swap3A_790], %broadcast_in_dim3A_753 {strides = array<i32>} : memref<65536xf32, #tpu.memory_space<vmem>>, vector<16xf32>,
      %add3A_792 = arith.constant 80 : i32
      %add3A_793 = arith.addi %mul3A_770, %add3A_792 : i32
      %swap3A_794 = arith.index_cast %add3A_793 : i32 to index
      %swap3A_795 = tpu.vector_load %arg21[%swap3A_794] {strides = array<i32>} : memref<65536xf32, #tpu.memory_space<vmem>>, vector<16xf32>,
      tpu.vector_store %arg21[%swap3A_794], %broadcast_in_dim3A_753 {strides = array<i32>} : memref<65536xf32, #tpu.memory_space<vmem>>, vector<16xf32>,
      %add3A_796 = arith.constant 96 : i32
      %add3A_797 = arith.addi %mul3A_770, %add3A_796 : i32
      %swap3A_798 = arith.index_cast %add3A_797 : i32 to index
      %swap3A_799 = tpu.vector_load %arg21[%swap3A_798] {strides = array<i32>} : memref<65536xf32, #tpu.memory_space<vmem>>, vector<16xf32>,
      tpu.vector_store %arg21[%swap3A_798], %broadcast_in_dim3A_753 {strides = array<i32>} : memref<65536xf32, #tpu.memory_space<vmem>>, vector<16xf32>,
      %add3A_800 = arith.constant 112 : i32
      %add3A_801 = arith.addi %mul3A_770, %add3A_800 : i32
      %swap3A_802 = arith.index_cast %add3A_801 : i32 to index
      %swap3A_803 = tpu.vector_load %arg21[%swap3A_802] {strides = array<i32>} : memref<65536xf32, #tpu.memory_space<vmem>>, vector<16xf32>,
      tpu.vector_store %arg21[%swap3A_802], %broadcast_in_dim3A_753 {strides = array<i32>} : memref<65536xf32, #tpu.memory_space<vmem>>, vector<16xf32>,
    }
    %scan3A_759 = arith.constant 512 : i32
    %scan3A_760 = arith.constant 0 : i32
    %scan3A_761 = arith.constant 0 : i32
    %scan3A_762 = arith.constant 32 : i32
    %scan3A_763 = arith.addi %scan3A_761, %scan3A_762 : i32
    %scan3A_764 = arith.constant 1 : i32
    scf.for %scan3A_768 = %scan3A_761 to %scan3A_763 step %scan3A_764  : i32 {
      %mul3A_769 = arith.constant 16 : i32
      %mul3A_770 = arith.muli %scan3A_768, %mul3A_769 : i32
      %add3A_771 = vector.broadcast %mul3A_770 : i32 to vector<16xi32>
      %add3A_772 = arith.addi %add3A_771, %iota3A : vector<16xi32>
      %mul3A_773 = arith.constant 16 : i32
      %mul3A_774 = arith.muli %scan3A_768, %mul3A_773 : i32
      %get3A = arith.index_cast %mul3A_774 : i32 to index
      %get3A_775 = tpu.vector_load %arg16[%get3A] {strides = array<i32>} : memref<512xf32, #tpu.memory_space<vmem>>, vector<16xf32>,
      %mul3A_776 = arith.constant 128 : i32
      %mul3A_777 = vector.broadcast %mul3A_776 : i32 to vector<16xi32>
      %mul3A_778 = arith.muli %add3A_772, %mul3A_777 : vector<16xi32>
      %add3A_779 = arith.constant 64 : i32
      %add3A_780 = vector.broadcast %add3A_779 : i32 to vector<16xi32>
      %add3A_781 = arith.addi %mul3A_778, %add3A_780 : vector<16xi32>
      tpu.vector_store_idx %arg21[%add3A_781], %get3A_775 : memref<65536xf32, #tpu.memory_space<vmem>>[vector<16xi32>], vector<16xf32>,
    }
    %scan3A_765 = arith.constant 32 : i32
    %mul3A_766 = arith.constant 65536 : i32
    %mul3A_767 = arith.muli %add3A, %mul3A_766 : i32
    "tpu.region"() ({
      %run_scoped3A = tpu.sem_alloc : memref<!tpu.dma_semaphore, #tpu.memory_space<semaphore_mem>>
      %dma_start3A_768 = tpu.memref_slice %arg11[%mul3A_767] : memref<2097152xf32, #tpu.memory_space<hbm>> -> memref<65536xf32, #tpu.memory_space<hbm>>
      %dma_start3A_769 = tpu.memref_slice %arg11[%mul3A_767] : memref<2097152xf32, #tpu.memory_space<hbm>> -> memref<65536xf32, #tpu.memory_space<hbm>>
      tpu.enqueue_dma source(%arg21 : memref<65536xf32, #tpu.memory_space<vmem>>) target(%dma_start3A_769 : memref<65536xf32, #tpu.memory_space<hbm>>) target_semaphore(%run_scoped3A : memref<!tpu.dma_semaphore, #tpu.memory_space<semaphore_mem>>)
      %dma_wait3A_770 = tpu.memref_slice %arg11[%mul3A_767] : memref<2097152xf32, #tpu.memory_space<hbm>> -> memref<65536xf32, #tpu.memory_space<hbm>>
      %dma_wait3A_771 = tpu.memref_slice %arg11[%mul3A_767] : memref<2097152xf32, #tpu.memory_space<hbm>> -> memref<65536xf32, #tpu.memory_space<hbm>>
      tpu.wait_dma2 semaphore(%run_scoped3A : memref<!tpu.dma_semaphore, #tpu.memory_space<semaphore_mem>>) src(%arg21 : memref<65536xf32, #tpu.memory_space<vmem>>) dst(%dma_wait3A_771 : memref<65536xf32, #tpu.memory_space<hbm>>)
      tpu.yield
    }) : () -> ()
    return
  }
}

module attributes {stable_mosaic.version = 14 : i64} {
  func.func @_tc_body(%arg0: i32, %arg1: memref<1024x128xf32, #tpu.memory_space<vmem>>, %arg2: memref<128x128xf32, #tpu.memory_space<vmem>>, %arg3: memref<1x128xf32, #tpu.memory_space<vmem>>, %arg4: memref<128x64xf32, #tpu.memory_space<vmem>>, %arg5: memref<1x64xf32, #tpu.memory_space<vmem>>, %arg6: memref<64x1xf32, #tpu.memory_space<vmem>>, %arg7: memref<128x2xf32, #tpu.memory_space<vmem>>, %arg8: memref<1x1xf32, #tpu.memory_space<vmem>>, %arg9: memref<1024x1xf32, #tpu.memory_space<vmem>>) attributes {dimension_semantics = [#tpu.dimension_semantics<arbitrary>], iteration_bounds = array<i64: 16>, scalar_prefetch = 0 : i64, scratch_operands = 0 : i64, tpu.core_type = #tpu.core_type<tc>, window_params = [{transform_indices = @transform_0, window_bounds = array<i64: 1024, 128>}, {pipeline_mode = #tpu.pipeline_mode<synchronous>, transform_indices = @transform_1, window_bounds = array<i64: 128, 128>}, {pipeline_mode = #tpu.pipeline_mode<synchronous>, transform_indices = @transform_2, window_bounds = array<i64: 1, 128>}, {pipeline_mode = #tpu.pipeline_mode<synchronous>, transform_indices = @transform_3, window_bounds = array<i64: 128, 64>}, {pipeline_mode = #tpu.pipeline_mode<synchronous>, transform_indices = @transform_4, window_bounds = array<i64: 1, 64>}, {pipeline_mode = #tpu.pipeline_mode<synchronous>, transform_indices = @transform_5, window_bounds = array<i64: 64, 1>}, {pipeline_mode = #tpu.pipeline_mode<synchronous>, transform_indices = @transform_6, window_bounds = array<i64: 128, 2>}, {pipeline_mode = #tpu.pipeline_mode<synchronous>, transform_indices = @transform_7, window_bounds = array<i64: 1, 1>}, {transform_indices = @transform_8, window_bounds = array<i64: 1024, 1>}]} {
    %get3A = arith.constant 0 : index
    %get3A_0 = arith.constant 0 : index
    %get3A_1 = vector.load %arg1[%get3A, %get3A_0] : memref<1024x128xf32, #tpu.memory_space<vmem>>, vector<1024x128xf32>
    %get3A_2 = arith.constant 0 : index
    %get3A_3 = arith.constant 0 : index
    %get3A_4 = vector.load %arg7[%get3A_2, %get3A_3] : memref<128x2xf32, #tpu.memory_space<vmem>>, vector<128x2xf32>
    %dot_general3A = arith.constant dense<0.000000e+00> : vector<1024x2xf32>
    %dot_general3A_5 = tpu.matmul %get3A_1, %get3A_4, %dot_general3A {dimension_numbers = #tpu.dot_dimension_numbers<[1], [0], [0], [1], [0, 0, 1, 1], [], []>, transpose_lhs_hint = false} : vector<1024x128xf32>, vector<128x2xf32>, vector<1024x2xf32> -> vector<1024x2xf32>
    %mul3A = arith.mulf %get3A_1, %get3A_1 : vector<1024x128xf32>
    %dot_general3A_6 = arith.constant dense<0.000000e+00> : vector<1024x2xf32>
    %dot_general3A_7 = tpu.matmul %mul3A, %get3A_4, %dot_general3A_6 {dimension_numbers = #tpu.dot_dimension_numbers<[1], [0], [0], [1], [0, 0, 1, 1], [], []>, transpose_lhs_hint = false} : vector<1024x128xf32>, vector<128x2xf32>, vector<1024x2xf32> -> vector<1024x2xf32>
    %slice3A = vector.extract_strided_slice %dot_general3A_5 {offsets = [0, 1], sizes = [1024, 1], strides = [1, 1]} : vector<1024x2xf32> to vector<1024x1xf32>
    %slice3A_8 = vector.extract_strided_slice %dot_general3A_5 {offsets = [0, 0], sizes = [1024, 1], strides = [1, 1]} : vector<1024x2xf32> to vector<1024x1xf32>
    %mul3A_9 = arith.mulf %slice3A, %slice3A : vector<1024x1xf32>
    %slice3A_10 = vector.extract_strided_slice %dot_general3A_7 {offsets = [0, 1], sizes = [1024, 1], strides = [1, 1]} : vector<1024x2xf32> to vector<1024x1xf32>
    %sub3A = arith.subf %mul3A_9, %slice3A_10 : vector<1024x1xf32>
    %mul3A_11 = arith.constant 5.000000e-01 : f32
    %mul3A_12 = vector.broadcast %mul3A_11 : f32 to vector<1024x1xf32>
    %mul3A_13 = arith.mulf %mul3A_12, %sub3A : vector<1024x1xf32>
    %add3A = arith.addf %slice3A_8, %mul3A_13 : vector<1024x1xf32>
    %get3A_14 = arith.constant 0 : index
    %get3A_15 = arith.constant 0 : index
    %get3A_16 = vector.load %arg2[%get3A_14, %get3A_15] : memref<128x128xf32, #tpu.memory_space<vmem>>, vector<128x128xf32>
    %dot_general3A_17 = arith.constant dense<0.000000e+00> : vector<1024x128xf32>
    %dot_general3A_18 = tpu.matmul %get3A_1, %get3A_16, %dot_general3A_17 {dimension_numbers = #tpu.dot_dimension_numbers<[1], [0], [0], [1], [0, 0, 1, 1], [], []>, transpose_lhs_hint = false} : vector<1024x128xf32>, vector<128x128xf32>, vector<1024x128xf32> -> vector<1024x128xf32>
    %get3A_19 = arith.constant 0 : index
    %get3A_20 = arith.constant 0 : index
    %get3A_21 = vector.load %arg3[%get3A_19, %get3A_20] : memref<1x128xf32, #tpu.memory_space<vmem>>, vector<1x128xf32>
    %add3A_22 = vector.broadcast %get3A_21 : vector<1x128xf32> to vector<1024x128xf32>
    %add3A_23 = arith.addf %dot_general3A_18, %add3A_22 : vector<1024x128xf32>
    %max3A = arith.constant 0.000000e+00 : f32
    %max3A_24 = vector.broadcast %max3A : f32 to vector<1024x128xf32>
    %max3A_25 = arith.maximumf %add3A_23, %max3A_24 : vector<1024x128xf32>
    %get3A_26 = arith.constant 0 : index
    %get3A_27 = arith.constant 0 : index
    %get3A_28 = vector.load %arg4[%get3A_26, %get3A_27] : memref<128x64xf32, #tpu.memory_space<vmem>>, vector<128x64xf32>
    %dot_general3A_29 = arith.constant dense<0.000000e+00> : vector<1024x64xf32>
    %dot_general3A_30 = tpu.matmul %max3A_25, %get3A_28, %dot_general3A_29 {dimension_numbers = #tpu.dot_dimension_numbers<[1], [0], [0], [1], [0, 0, 1, 1], [], []>, transpose_lhs_hint = false} : vector<1024x128xf32>, vector<128x64xf32>, vector<1024x64xf32> -> vector<1024x64xf32>
    %get3A_31 = arith.constant 0 : index
    %get3A_32 = arith.constant 0 : index
    %get3A_33 = vector.load %arg5[%get3A_31, %get3A_32] : memref<1x64xf32, #tpu.memory_space<vmem>>, vector<1x64xf32>
    %add3A_34 = vector.broadcast %get3A_33 : vector<1x64xf32> to vector<1024x64xf32>
    %add3A_35 = arith.addf %dot_general3A_30, %add3A_34 : vector<1024x64xf32>
    %max3A_36 = arith.constant 0.000000e+00 : f32
    %max3A_37 = vector.broadcast %max3A_36 : f32 to vector<1024x64xf32>
    %max3A_38 = arith.maximumf %add3A_35, %max3A_37 : vector<1024x64xf32>
    %get3A_39 = arith.constant 0 : index
    %get3A_40 = arith.constant 0 : index
    %get3A_41 = vector.load %arg6[%get3A_39, %get3A_40] : memref<64x1xf32, #tpu.memory_space<vmem>>, vector<64x1xf32>
    %dot_general3A_42 = arith.constant dense<0.000000e+00> : vector<1024x1xf32>
    %dot_general3A_43 = tpu.matmul %max3A_38, %get3A_41, %dot_general3A_42 {dimension_numbers = #tpu.dot_dimension_numbers<[1], [0], [0], [1], [0, 0, 1, 1], [], []>, transpose_lhs_hint = false} : vector<1024x64xf32>, vector<64x1xf32>, vector<1024x1xf32> -> vector<1024x1xf32>
    %add3A_44 = arith.addf %add3A, %dot_general3A_43 : vector<1024x1xf32>
    %get3A_45 = arith.constant 0 : index
    %get3A_46 = arith.constant 0 : index
    %get3A_47 = vector.load %arg8[%get3A_45, %get3A_46] : memref<1x1xf32, #tpu.memory_space<vmem>>, vector<1x1xf32>
    %add3A_48 = vector.broadcast %get3A_47 : vector<1x1xf32> to vector<1024x1xf32>
    %add3A_49 = arith.addf %add3A_44, %add3A_48 : vector<1024x1xf32>
    %logistic3A = arith.negf %add3A_49 : vector<1024x1xf32>
    %logistic3A_50 = math.exp %logistic3A : vector<1024x1xf32>
    %logistic3A_51 = arith.constant 1.000000e+00 : f32
    %logistic3A_52 = vector.broadcast %logistic3A_51 : f32 to vector<1024x1xf32>
    %logistic3A_53 = arith.addf %logistic3A_52, %logistic3A_50 : vector<1024x1xf32>
    %logistic3A_54 = arith.divf %logistic3A_52, %logistic3A_53 : vector<1024x1xf32>
    %swap3A = arith.constant 0 : index
    %swap3A_55 = arith.constant 0 : index
    %swap3A_56 = vector.load %arg9[%swap3A, %swap3A_55] : memref<1024x1xf32, #tpu.memory_space<vmem>>, vector<1024x1xf32>
    tpu.vector_store %arg9[%swap3A, %swap3A_55], %logistic3A_54 {strides = array<i32>} : memref<1024x1xf32, #tpu.memory_space<vmem>>, vector<1024x1xf32>,
    return
  }
  func.func @transform_0(%arg0: i32) -> (i32, i32) {
    %c0_i32 = arith.constant 0 : i32
    %c0_i32_0 = arith.constant 0 : i32
    return %arg0, %c0_i32 : i32, i32
  }
  func.func @transform_1(%arg0: i32) -> (i32, i32) {
    %c0_i32 = arith.constant 0 : i32
    %c0_i32_0 = arith.constant 0 : i32
    %c0_i32_1 = arith.constant 0 : i32
    return %c0_i32, %c0_i32_0 : i32, i32
  }
  func.func @transform_2(%arg0: i32) -> (i32, i32) {
    %c0_i32 = arith.constant 0 : i32
    %c0_i32_0 = arith.constant 0 : i32
    %c0_i32_1 = arith.constant 0 : i32
    return %c0_i32, %c0_i32_0 : i32, i32
  }
  func.func @transform_3(%arg0: i32) -> (i32, i32) {
    %c0_i32 = arith.constant 0 : i32
    %c0_i32_0 = arith.constant 0 : i32
    %c0_i32_1 = arith.constant 0 : i32
    return %c0_i32, %c0_i32_0 : i32, i32
  }
  func.func @transform_4(%arg0: i32) -> (i32, i32) {
    %c0_i32 = arith.constant 0 : i32
    %c0_i32_0 = arith.constant 0 : i32
    %c0_i32_1 = arith.constant 0 : i32
    return %c0_i32, %c0_i32_0 : i32, i32
  }
  func.func @transform_5(%arg0: i32) -> (i32, i32) {
    %c0_i32 = arith.constant 0 : i32
    %c0_i32_0 = arith.constant 0 : i32
    %c0_i32_1 = arith.constant 0 : i32
    return %c0_i32, %c0_i32_0 : i32, i32
  }
  func.func @transform_6(%arg0: i32) -> (i32, i32) {
    %c0_i32 = arith.constant 0 : i32
    %c0_i32_0 = arith.constant 0 : i32
    %c0_i32_1 = arith.constant 0 : i32
    return %c0_i32, %c0_i32_0 : i32, i32
  }
  func.func @transform_7(%arg0: i32) -> (i32, i32) {
    %c0_i32 = arith.constant 0 : i32
    %c0_i32_0 = arith.constant 0 : i32
    %c0_i32_1 = arith.constant 0 : i32
    return %c0_i32, %c0_i32_0 : i32, i32
  }
  func.func @transform_8(%arg0: i32) -> (i32, i32) {
    %c0_i32 = arith.constant 0 : i32
    %c0_i32_0 = arith.constant 0 : i32
    return %arg0, %c0_i32 : i32, i32
  }
}

</mosaic_0001>

<sc_bundles>
// kernel: kernel.4.cloned.1.call-start
scs
__scs_entry_jumppad:
0x0: {  	(pc) =	sbr.rel $0x88, $3  }
0x1: {  	(tag) =	ssettag $0x0;
	lr =	simm.s32 $0x1  }
0x2: {  	[smem:$0x3F8F] =	sst lr;
	_ =	strace $0xD0000000  }
0x3: {  	_ = 	snop  }
0x4: {  	_ = 	snop  }
0x5: {  	_ = 	snop  }
0x6: {  	_ = 	snop  }
0x7: {  	_ = 	snop  }
__scs_overlays_trampoline_lowered:
0x8: {  	[smem:$0x3F9E] =	sst s0  }
0x9: {  	[smem:$0x3F9F] =	sst s1  }
0xa: {  	[smem:$0x3FA0] =	sst s2  }
0xb: {  	[smem:$0x3FA1] =	sst s3  }
0xc: {  	[smem:$0x3FA2] =	sst s4  }
0xd: {  	[smem:$0x3FA3] =	sst s5  }
0xe: {  	[smem:$0x3FA4] =	sst s6  }
0xf: {  	[smem:$0x3FA5] =	sst s7  }
0x10: {  	[smem:$0x3FA6] =	sst s8  }
0x11: {  	[smem:$0x3FA7] =	sst s9;
	s0 =	simm.s32 @!p0 $0x0  }
0x12: {  	s1 =	sld [smem:$0x3F8D];
	s0 =	simm.s32 @p0 $0x1  }
0x13: {  	[smem:$0x3FA8] =	sst s0;
	s0 =	simm.s32 @!p1 $0x0  }
0x14: {  	s2 =	sld [smem:$0x3F8C];
	s0 =	simm.s32 @p1 $0x1  }
0x15: {  	[smem:$0x3FA9] =	sst s0;
	s0 =	simm.s32 @!p2 $0x0  }
0x16: {  	s3 =	sld [smem:$0x3FDB];
	s0 =	simm.s32 @p2 $0x1  }
0x17: {  	s4 =	simm.s32 $0x1BF5;
	[smem:$0x3FAB] =	sst s0  }
0x18: {  	s0 =	sld [smem:$0x3F8E];
	_ =	swait.ge [sflag:s4], $0x0  }
0x19: {  	s7 =	sld [smem:$0x3F8F]  }
0x1a: {  	s8 =	sadd.s32 $0xFFFFE003, lr  }
0x1b: {  	s9 =	sadd.s32 $0xFFFFFEF7, lr;
	s5 =	simm.s32 $0xFFFFFFFF;
	p2 =	slt.u32 s8, $0xFFFFF086  }
0x1c: {  	p1 =	slt.u32 s9, $0xF7A;
	s5 =	simm.s32 @!p2 $0x0  }
0x1d: {  	s5 =	simm.s32 @p1 $0x1;
	p0 =	seq.s32 s7, s2  }
0x1e: {  	s7 =	smul.u32 @!p0 $0xF7A, s2;
	p2 =	seq.s32 @!p0 s5, $0x0  }
0x1f: {  	s9 =	smul.u32 $0xF7A, s1;
	s8 =	simm.s32 @!p0 $0x1BF5;
	p2 =	por !p2, p0  }
0x20: {  	[sflag:s8] =	ssyncset.s32 @!p0 $0xFFFFF086;
	s6 =	sadd.s32 @!p0 s3, s7;
	s7 =	simm.s32 @!p0 $0x108  }
0x21: {  	s3 =	sadd.s32 s3, s9;
	s6 =	sadd.s32 @!p0 $0x88, s6;
	s7 =	simm.s32 @p2 $0x1082  }
0x22: {  	[simem:s7], [sflag:s8] =	dma.local @!p0 [hbm:s6], $0xF7A  }
0x23: {  	s9 =	sor.u32 $0xD0000000, s2;
	s6 =	simm.s32 $0x108;
	_ =	swait.ge @!p0 [sflag:s8], $0x0  }
0x24: {  	s3 =	sadd.s32 $0x88, s3;
	s6 =	simm.s32 @!p1 $0x1082;
	[sflag:s4] =	ssyncset.s32 $0xFFFFF086  }
0x25: {  	[simem:s6], [sflag:s4] =	dma.local [hbm:s3], $0xF7A  }
0x26: {  	[smem:$0x3F8F] =	sst s1;
	(tag) =	ssettag s2;
	_ =	strace s9  }
0x27: {  	s1 =	sld [smem:$0x3F9F]  }
0x28: {  	s2 =	sld [smem:$0x3FA0]  }
0x29: {  	s4 =	sld [smem:$0x3FA2]  }
0x2a: {  	p0 =	seq.s32 s5, $0x0;
	s5 =	sld [smem:$0x3FA3]  }
0x2b: {  	s6 =	sld [smem:$0x3FA4]  }
0x2c: {  	s7 =	sld [smem:$0x3FA5]  }
0x2d: {  	s3 =	simm.s32 $0x108;
	s8 =	sld [smem:$0x3FA6]  }
0x2e: {  	s3 =	simm.s32 @!p0 $0x1082;
	s9 =	sld [smem:$0x3FA7]  }
0x2f: {  	lr =	sadd.s32 s0, s3;
	s0 =	sld [smem:$0x3F9E]  }
0x30: {  	s3 =	sld [smem:$0x3FA1]  }
0x31: {  	[smem:$0x3FAA] =	sst s10  }
0x32: {  	s10 =	sld [smem:$0x3FA8];
	_ =	sdelay $0x3  }
0x33: {  	p0 =	seq.s32 s10, $0x1;
	s10 =	sld [smem:$0x3FAA];
	_ =	sdelay $0x3  }
0x34: {  	[smem:$0x3FAA] =	sst s10  }
0x35: {  	s10 =	sld [smem:$0x3FA9];
	_ =	sdelay $0x3  }
0x36: {  	p1 =	seq.s32 s10, $0x1;
	s10 =	sld [smem:$0x3FAA];
	_ =	sdelay $0x3  }
0x37: {  	[smem:$0x3FAA] =	sst s10  }
0x38: {  	s10 =	sld [smem:$0x3FAB]  }
0x39: {  	_ = 	snop;
	(pc) =	sbr.ind lr, $3  }
0x3a: {  	_ = 	snop  }
0x3b: {  	_ = 	snop  }
0x3c: {  	p2 =	seq.s32 s10, $0x1;
	s10 =	sld [smem:$0x3FAA]  }
0x3d: {  	_ =	shalt  }
0x3e: {  	_ =	shalt  }
0x3f: {  	_ =	shalt  }
0x40: {  	_ =	shalt  }
0x41: {  	_ =	shalt  }
0x42: {  	_ =	shalt  }
0x43: {  	_ =	shalt  }
0x44: {  	_ =	shalt  }
0x45: {  	_ =	shalt  }
0x46: {  	_ =	shalt  }
0x47: {  	_ =	shalt  }
0x48: {  	_ =	shalt  }
0x49: {  	_ =	shalt  }
0x4a: {  	_ =	shalt  }
0x4b: {  	_ =	shalt  }
0x4c: {  	_ =	shalt  }
0x4d: {  	_ =	shalt  }
0x4e: {  	_ =	shalt  }
0x4f: {  	_ =	shalt  }
0x50: {  	_ =	shalt  }
0x51: {  	_ =	shalt  }
0x52: {  	_ =	shalt  }
0x53: {  	_ =	shalt  }
0x54: {  	_ =	shalt  }
0x55: {  	_ =	shalt  }
0x56: {  	_ =	shalt  }
0x57: {  	_ =	shalt  }
0x58: {  	_ =	shalt  }
0x59: {  	_ =	shalt  }
0x5a: {  	_ =	shalt  }
0x5b: {  	_ =	shalt  }
0x5c: {  	_ =	shalt  }
0x5d: {  	_ =	shalt  }
0x5e: {  	_ =	shalt  }
0x5f: {  	_ =	shalt  }
0x60: {  	_ =	shalt  }
0x61: {  	_ =	shalt  }
0x62: {  	_ =	shalt  }
0x63: {  	_ =	shalt  }
0x64: {  	_ =	shalt  }
0x65: {  	_ =	shalt  }
0x66: {  	_ =	shalt  }
0x67: {  	_ =	shalt  }
0x68: {  	_ =	shalt  }
0x69: {  	_ =	shalt  }
0x6a: {  	_ =	shalt  }
0x6b: {  	_ =	shalt  }
0x6c: {  	_ =	shalt  }
0x6d: {  	_ =	shalt  }
0x6e: {  	_ =	shalt  }
0x6f: {  	_ =	shalt  }
0x70: {  	_ =	shalt  }
0x71: {  	_ =	shalt  }
0x72: {  	_ =	shalt  }
0x73: {  	_ =	shalt  }
0x74: {  	_ =	shalt  }
0x75: {  	_ =	shalt  }
0x76: {  	_ =	shalt  }
0x77: {  	_ =	shalt  }
0x78: {  	_ =	shalt  }
0x79: {  	_ =	shalt  }
0x7a: {  	_ =	shalt  }
0x7b: {  	_ =	shalt  }
0x7c: {  	_ =	shalt  }
0x7d: {  	_ =	shalt  }
0x7e: {  	_ =	shalt  }
0x7f: {  	_ =	shalt  }
0x80: {  	_ =	shalt  }
0x81: {  	_ =	shalt  }
0x82: {  	_ =	shalt  }
0x83: {  	_ =	shalt  }
0x84: {  	_ =	shalt  }
0x85: {  	_ =	shalt  }
0x86: {  	_ =	shalt  }
0x87: {  	_ =	shalt  }
.Lfunc_end0:
.L_simem_size_0:
called_computation_lowered:
.L_overlay_start_0:
0x88: {  	s2 =	sld [smem:$0x3FD9]  }
0x89: {  	s3 =	sld [smem:$0x3FFE];
	_ =	sdelay $0x1  }
0x8a: {  	s1 =	srdreg.scid  }
0x8b: {  	s0 =	sand.u32 $0x1, s1  }
0x8c: {  	s17 =	sshll.u32 s0, $0xA;
	s2 =	sadd.s32 s3, s2  }
0x8d: {  	s2 =	sadd.s32 s2, s17  }
0x8e: {  	[smem:$0x3FB6] =	sst s2  }
0x8f: {  	_ = 	snop  }
0x90: {  	s2 =	sld [smem:$0x3FC9]  }
0x91: {  	s18 =	sld [smem:$0x3FC8]  }
0x92: {  	s4 =	sld [smem:$0x3FC6]  }
0x93: {  	s5 =	sld [smem:$0x3FC5]  }
0x94: {  	s6 =	sld [smem:$0x3FD0];
	(tm) =	ssettm $0x1  }
0x95: {  	s7 =	sld [smem:$0x3FFB];
	_ =	sdelay $0x3  }
0x96: {  	_ =	strace s7  }
0x97: {  	s7 =	sld [smem:$0x3FFC];
	_ =	sdelay $0x3  }
0x98: {  	_ =	strace s7  }
0x99: {  	s7 =	sld [smem:$0x3FFD];
	_ =	sdelay $0x3  }
0x9a: {  	_ =	strace s7  }
0x9b: {  	_ =	strace $0x8FFFFFFF  }
0x9c: {  	s19 =	sld [smem:$0x3FDB];
	_ =	sdelay $0x1  }
0x9d: {  	s8 =	simm.s32 $_scs_section_size  }
0x9e: {  	s9 =	simm.s32 $_size__tile_overlayer_lowered;
	s10 =	simm.s32 $_tile_overlayer_lowered  }
0x9f: {  	s22 =	simm.s32 $0x1BFF;
	s21 =	sshll.u32 s10, $0x1;
	s7 =	sadd.s32 s8, s19  }
0xa0: {  	s11 =	simm.s32 $0x0;
	s20 =	sshll.u32 s9, $0x1;
	s9 =	sadd.s32 s21, s7  }
0xa1: {  	[timem:s11], [sflag:s22] =	dma.local [hbm:s9], s20  }
0xa2: {  	_ =	swait.ge [sflag:s22], s20  }
0xa3: {  	s8 =	ssub.s32 $0x0, s20;
	[sflag:s22] =	ssyncset.done $0x0  }
0xa4: {  	[sflag:s22] =	ssyncadd.s32 s8;
	_ =	sdelay $0x1  }
0xa5: {  	s23 =	simm.s32 $0x1B8B  }
0xa6: {  	_ =	swait.ge [sflag:s23], $0x1  }
0xa7: {  	[sflag:s23] =	ssyncset.done $0x0  }
0xa8: {  	s25 =	simm.s32 $0x1B8E;
	s24 =	sld [smem:$0x3FFE];
	[sflag:s23] =	ssyncadd.s32 $0xFFFFFFFF  }
0xa9: {  	s26 =	simm.s32 $execute0_lowered;
	[smem:$0x3FD2] =	sst s25  }
0xaa: {  	s9 =	sshll.u32 s26, $0x1;
	_ =	strace $0x80000046;
	[dreg:$0x1] =	wrdreg $0xFFFFFFFF  }
0xab: {  	s28 =	simm.s32 $_size_execute0_lowered;
	s7 =	sadd.s32 s7, s9;
	[dreg:$0x0] =	wrdreg $0x0  }
0xac: {  	s9 =	sshll.u32 s28, $0x1;
	[dreg:$0x2] =	wrdreg s7  }
0xad: {  	[dreg:$0x3] =	wrdreg s9  }
0xae: {  	[dreg:$0x4] =	wrdreg $0xC0  }
0xaf: {  	_ =	task [dreg:s11], $0x5FFFF  }
0xb0: {  	[dreg:$0x1] =	wrdreg $0xFFFFFFFF  }
0xb1: {  	[dreg:$0x0] =	wrdreg $0x60  }
0xb2: {  	[dreg:$0x2] =	wrdreg s2  }
0xb3: {  	[dreg:$0x3] =	wrdreg s18  }
0xb4: {  	[dreg:$0x4] =	wrdreg s24  }
0xb5: {  	[dreg:$0x5] =	wrdreg s4  }
0xb6: {  	[dreg:$0x6] =	wrdreg s5  }
0xb7: {  	[dreg:$0x7] =	wrdreg s6  }
0xb8: {  	[dreg:$0x8] =	wrdreg $0x9  }
0xb9: {  	_ =	task.clear_ibuf [dreg:s11], $0x9FFFF;
	_ =	strace $0x90000046  }
0xba: {  	s29 =	simm.s32 $0x9;
	_ =	strace $0x80000048  }
0xbb: {  	_ =	swait.ge [sflag:s29], $0x1  }
0xbc: {  	[sflag:s29] =	ssyncadd.s32 $0xFFFFFFFF  }
0xbd: {  	_ =	strace $0x90000048  }
0xbe: {  	_ =	sfence  }
0xbf: {  	s30 =	sld [smem:$0x0];
	_ =	sdelay $0x2  }
0xc0: {  	s31 =	sshll.u32 s1, $0xD;
	s1 =	sshrl.u32 s1, $0x2  }
0xc1: {  	s3 =	sand.u32 $0x4000, s31;
	s1 =	sadd.s32 s1, s30  }
0xc2: {  	s0 =	sor.u32 s3, s0;
	s1 =	sshll.u32 s1, $0x11  }
0xc3: {  	s0 =	sor.u32 s1, s0  }
0xc4: {  	s0 =	sadd.s32 $0x8F2B, s0  }
0xc5: {  	[sflag:s0] =	ssyncadd.remote.s32 $0x1  }
0xc6: {  	_ =	sfence.sel $0xFFFF  }
0xc7: {  	[dreg:$0x0] =	wrdreg $0xFFFFFFFF;
	(pc) =	sbr.abs _section_cstart, $3  }
0xc8: {  	[dreg:$0x1] =	wrdreg $0xFFFFFFFF  }
0xc9: {  	_ =	task.clear_ibuf [dreg:s11], $0x2FFFF;
	_ =	strace $0x9FFFFFFF  }
0xca: {  	(tm) =	ssettm $0x7FFFFFFF  }
0xcb: {  	_ =	shalt  }
tec
execute0_lowered:
.L_overlay_start_1:
0x0: {  	(tag) =	ssettag $0x1  }
0x1: {  	s0 =	rddreg [dreg:$0x0]  }
0x2: {  	s1 =	rddreg [dreg:$0x1]  }
0x3: {  	s2 =	rddreg [dreg:$0x2]  }
0x4: {  	s4 =	rddreg [dreg:$0x3]  }
0x5: {  	s5 =	rddreg [dreg:$0x4]  }
0x6: {  	s17 =	rddreg [dreg:$0x5]  }
0x7: {  	s6 =	srdreg.scid;
	s7 =	stileid.u32  }
0x8: {  	s3 =	simm.s32 $0x0;
	s6 =	sand.u32 $0x1, s6;
	s7 =	sshll.u32 s7, $0x1  }
0x9: {  	[smem:$0x7FF] =	sst s3;
	s10 =	sadd.s32 $0xF44000, s2;
	s30 =	sadd.s32 $0x1B9400, s2  }
0xa: {  	s7 =	sor.u32 s6, s7;
	_ =	strace $0x80000047;
	[dreg:$0x7] =	wrdreg s10  }
0xb: {  	s11 =	sadd.s32 $0x188600, s2;
	[dreg:$0x8] =	wrdreg s30;
	s8 =	sshll.u32 s7, $0x6  }
0xc: {  	[dreg:$0x9] =	wrdreg s11;
	s7 =	sshll.u32 s7, $0xD;
	s0 =	sadd.s32 s0, s8  }
0xd: {  	s9 =	sadd.s32 s8, s2;
	s1 =	sadd.s32 s1, s8;
	[dreg:$0xa] =	wrdreg s0  }
0xe: {  	s2 =	sadd.s32 s7, s2;
	s7 =	sadd.s32 s4, s8;
	[dreg:$0xb] =	wrdreg s1  }
0xf: {  	s8 =	sadd.s32 s5, s8;
	[dreg:$0xc] =	wrdreg s7  }
0x10: {  	[dreg:$0xd] =	wrdreg s8;
	s10 =	sadd.s32 $0x1C00, s9  }
0x11: {  	s11 =	sadd.s32 $0x2400, s9;
	[dreg:$0xe] =	wrdreg s10  }
0x12: {  	s12 =	sadd.s32 $0x2C00, s9;
	[dreg:$0xf] =	wrdreg s11  }
0x13: {  	s13 =	sadd.s32 $0x3400, s9;
	[dreg:$0x10] =	wrdreg s12  }
0x14: {  	s14 =	sadd.s32 $0x3C00, s9;
	[dreg:$0x11] =	wrdreg s13  }
0x15: {  	s15 =	sadd.s32 $0x4400, s9;
	[dreg:$0x12] =	wrdreg s14  }
0x16: {  	s16 =	sadd.s32 $0x4C00, s9;
	[dreg:$0x13] =	wrdreg s15  }
0x17: {  	s18 =	sadd.s32 $0x5400, s9;
	[dreg:$0x14] =	wrdreg s16  }
0x18: {  	s19 =	sadd.s32 $0x5C00, s9;
	[dreg:$0x15] =	wrdreg s18  }
0x19: {  	s6 =	ssub.s32 $0x2, s6;
	s20 =	sadd.s32 $0x6400, s9;
	[dreg:$0x16] =	wrdreg s19  }
0x1a: {  	s31 =	sshrl.u32 s6, $0x1;
	s21 =	sadd.s32 $0x6C00, s9;
	[dreg:$0x17] =	wrdreg s20  }
0x1b: {  	s6 =	ssub.s32 s6, s31;
	s22 =	sadd.s32 $0x7400, s9;
	[dreg:$0x18] =	wrdreg s21  }
0x1c: {  	s4 =	sadd.s32 $0xFA, s17;
	s23 =	sadd.s32 $0x7C00, s9;
	[dreg:$0x19] =	wrdreg s22  }
0x1d: {  	s5 =	sadd.s32 $0x177, s17;
	s24 =	sadd.s32 $0x8400, s9;
	[dreg:$0x1a] =	wrdreg s23  }
0x1e: {  	s25 =	sadd.s32 $0x8C00, s9;
	s26 =	sadd.s32 $0x9400, s9;
	[dreg:$0x1b] =	wrdreg s24  }
0x1f: {  	s28 =	sadd.s32 $0x9C00, s9;
	s29 =	sadd.s32 $0xA400, s9;
	[dreg:$0x1c] =	wrdreg s25  }
0x20: {  	s30 =	sadd.s32 $0xAC00, s9;
	s31 =	sadd.s32 $0xB400, s9;
	[dreg:$0x1d] =	wrdreg s26  }
0x21: {  	s0 =	sadd.s32 $0xBC00, s2;
	s1 =	smax.u32 s6, $0x1;
	[dreg:$0x1e] =	wrdreg s28  }
0x22: {  	s2 =	sadd.s32 $0x7D, s17;
	s6 =	sadd.s32 $0x1F4, s17;
	[dreg:$0x1f] =	wrdreg s29  }
0x23: {  	s7 =	sadd.s32 $0x271, s17;
	s8 =	sadd.s32 $0x2EE, s17;
	[smem:$0x7FC] =	sst s30  }
0x24: {  	s9 =	sadd.s32 $0x36B, s17;
	[smem:$0x7FD] =	sst s31;
	s10 =	sadd.s32 $0x3E8, s17  }
0x25: {  	s11 =	sadd.s32 $0x465, s17;
	s12 =	sadd.s32 $0x4E2, s17;
	s13 =	sadd.s32 $0x55F, s17  }
0x26: {  	s14 =	sadd.s32 $0x5DC, s17;
	s15 =	sadd.s32 $0x659, s17;
	s16 =	sadd.s32 $0x6D6, s17  }
0x27: {  	s17 =	sadd.s32 $0x753, s17;
	s18 =	simm.s32 $0x200;
	s19 =	simm.s32 $0x400  }
0x28: {  	v0 =	vlaneseq.u32;
	s20 =	simm.s32 $0x9000;
	s21 =	simm.s32 $0x2;
	s22 =	simm.s32 $0xCE80  }
0x29: {  	v1 =	vimm.f32 $0.0e+00;
	v0 =	vmul.u32 $0x80, v0;
	s23 =	simm.s32 $0x1;
	s24 =	simm.s32 $0x3;
	s25 =	simm.s32 $0x0  }
.LBB2_1:
0x2a: {  	s26 =	rddreg [dreg:$0xa]  }
0x2b: {  	[tilespmem:s3], [sflag:$0x2] =	stream.linear.gather [hbm4b:s26+s3], $0x200, $0x38;
	[tilespmem:$0x1CE80] =	vst v63  }
0x2c: {  	s31 =	rddreg [dreg:$0xb]  }
0x2d: {  	[tilespmem:s18], [sflag:$0x2] =	stream.linear.gather [hbm4b:s31+s3], $0x200, $0x38;
	[tilespmem:$0x1CE80] =	vst v63  }
0x2e: {  	s29 =	rddreg [dreg:$0xc]  }
0x2f: {  	[tilespmem:s19], [sflag:$0x2] =	stream.linear.gather [hbm4b:s29+s3], $0x200, $0x38;
	[tilespmem:$0x1CE80] =	vst v63  }
0x30: {  	s30 =	rddreg [dreg:$0xd];
	s28 =	simm.s32 $0x2E00  }
0x31: {  	[tilespmem:s28], [sflag:$0x2] =	stream.linear.gather [hbm4b:s30+s3], $0x200, $0x38;
	[tilespmem:$0x1CE80] =	vst v63  }
0x32: {  	s26 =	simm.s32 $0x600;
	s28 =	rddreg [dreg:$0xe]  }
0x33: {  	[tilespmem:s26], [sflag:$0x2] =	stream.linear.gather [hbm4b:s28+s3], $0x200, $0x38;
	[tilespmem:$0x1CE80] =	vst v63  }
0x34: {  	s29 =	simm.s32 $0x800;
	s28 =	rddreg [dreg:$0xf]  }
0x35: {  	[tilespmem:s29], [sflag:$0x2] =	stream.linear.gather [hbm4b:s28+s3], $0x200, $0x38;
	[tilespmem:$0x1CE80] =	vst v63  }
0x36: {  	s31 =	simm.s32 $0xA00;
	s28 =	rddreg [dreg:$0x10]  }
0x37: {  	[tilespmem:s31], [sflag:$0x2] =	stream.linear.gather [hbm4b:s28+s3], $0x200, $0x38;
	[tilespmem:$0x1CE80] =	vst v63  }
0x38: {  	s30 =	simm.s32 $0xC00;
	s28 =	rddreg [dreg:$0x11]  }
0x39: {  	[tilespmem:s30], [sflag:$0x2] =	stream.linear.gather [hbm4b:s28+s3], $0x200, $0x38;
	[tilespmem:$0x1CE80] =	vst v63  }
0x3a: {  	s31 =	simm.s32 $0xE00;
	s28 =	rddreg [dreg:$0x12]  }
0x3b: {  	[tilespmem:s31], [sflag:$0x2] =	stream.linear.gather [hbm4b:s28+s3], $0x200, $0x38;
	[tilespmem:$0x1CE80] =	vst v63  }
0x3c: {  	s30 =	simm.s32 $0x1000;
	s28 =	rddreg [dreg:$0x13]  }
0x3d: {  	[tilespmem:s30], [sflag:$0x2] =	stream.linear.gather [hbm4b:s28+s3], $0x200, $0x38;
	[tilespmem:$0x1CE80] =	vst v63  }
0x3e: {  	s31 =	simm.s32 $0x1200;
	s28 =	rddreg [dreg:$0x14]  }
0x3f: {  	[tilespmem:s31], [sflag:$0x2] =	stream.linear.gather [hbm4b:s28+s3], $0x200, $0x38;
	[tilespmem:$0x1CE80] =	vst v63  }
0x40: {  	s30 =	simm.s32 $0x1400;
	s28 =	rddreg [dreg:$0x15]  }
0x41: {  	[tilespmem:s30], [sflag:$0x2] =	stream.linear.gather [hbm4b:s28+s3], $0x200, $0x38;
	[tilespmem:$0x1CE80] =	vst v63  }
0x42: {  	s31 =	simm.s32 $0x1600;
	s28 =	rddreg [dreg:$0x16]  }
0x43: {  	[tilespmem:s31], [sflag:$0x2] =	stream.linear.gather [hbm4b:s28+s3], $0x200, $0x38;
	[tilespmem:$0x1CE80] =	vst v63  }
0x44: {  	s30 =	simm.s32 $0x1800;
	s28 =	rddreg [dreg:$0x17]  }
0x45: {  	[tilespmem:s30], [sflag:$0x2] =	stream.linear.gather [hbm4b:s28+s3], $0x200, $0x38;
	[tilespmem:$0x1CE80] =	vst v63  }
0x46: {  	s31 =	simm.s32 $0x1A00;
	s28 =	rddreg [dreg:$0x18]  }
0x47: {  	[tilespmem:s31], [sflag:$0x2] =	stream.linear.gather [hbm4b:s28+s3], $0x200, $0x38;
	[tilespmem:$0x1CE80] =	vst v63  }
0x48: {  	s30 =	simm.s32 $0x1C00;
	s28 =	rddreg [dreg:$0x19]  }
0x49: {  	[tilespmem:s30], [sflag:$0x2] =	stream.linear.gather [hbm4b:s28+s3], $0x200, $0x38;
	[tilespmem:$0x1CE80] =	vst v63  }
0x4a: {  	s31 =	simm.s32 $0x1E00;
	s28 =	rddreg [dreg:$0x1a]  }
0x4b: {  	[tilespmem:s31], [sflag:$0x2] =	stream.linear.gather [hbm4b:s28+s3], $0x200, $0x38;
	[tilespmem:$0x1CE80] =	vst v63  }
0x4c: {  	s30 =	simm.s32 $0x2000;
	s28 =	rddreg [dreg:$0x1b]  }
0x4d: {  	[tilespmem:s30], [sflag:$0x2] =	stream.linear.gather [hbm4b:s28+s3], $0x200, $0x38;
	[tilespmem:$0x1CE80] =	vst v63  }
0x4e: {  	s31 =	simm.s32 $0x2200;
	s28 =	rddreg [dreg:$0x1c]  }
0x4f: {  	[tilespmem:s31], [sflag:$0x2] =	stream.linear.gather [hbm4b:s28+s3], $0x200, $0x38;
	[tilespmem:$0x1CE80] =	vst v63  }
0x50: {  	s30 =	simm.s32 $0x2400;
	s28 =	rddreg [dreg:$0x1d]  }
0x51: {  	[tilespmem:s30], [sflag:$0x2] =	stream.linear.gather [hbm4b:s28+s3], $0x200, $0x38;
	[tilespmem:$0x1CE80] =	vst v63  }
0x52: {  	s31 =	simm.s32 $0x2600;
	s28 =	rddreg [dreg:$0x1e]  }
0x53: {  	[tilespmem:s31], [sflag:$0x2] =	stream.linear.gather [hbm4b:s28+s3], $0x200, $0x38;
	[tilespmem:$0x1CE80] =	vst v63  }
0x54: {  	s30 =	simm.s32 $0x2800;
	s28 =	rddreg [dreg:$0x1f]  }
0x55: {  	[tilespmem:s30], [sflag:$0x2] =	stream.linear.gather [hbm4b:s28+s3], $0x200, $0x38;
	[tilespmem:$0x1CE80] =	vst v63  }
0x56: {  	s28 =	sld [smem:$0x7FC];
	_ =	sdelay $0x1  }
0x57: {  	s31 =	simm.s32 $0x2A00  }
0x58: {  	[tilespmem:s31], [sflag:$0x2] =	stream.linear.gather [hbm4b:s28+s3], $0x200, $0x38;
	[tilespmem:$0x1CE80] =	vst v63  }
0x59: {  	s28 =	sld [smem:$0x7FD];
	_ =	sdelay $0x1  }
0x5a: {  	s30 =	simm.s32 $0x2C00  }
0x5b: {  	[tilespmem:s30], [sflag:$0x2] =	stream.linear.gather [hbm4b:s28+s3], $0x200, $0x38;
	[tilespmem:$0x1CE80] =	vst v63  }
0x5c: {  	s28 =	rddreg [dreg:$0x5]  }
0x5d: {  	[tilespmem:s20], [sflag:$0x2] =	stream.linear.gather [hbm4b:s28+s3], $0x3E8, $0x38;
	[tilespmem:$0x1CE80] =	vst v63  }
0x5e: {  	s28 =	simm.s32 $0x93E8  }
0x5f: {  	[tilespmem:s28], [sflag:$0x2] =	stream.linear.gather [hbm4b:s2+s3], $0x3E8, $0x38;
	[tilespmem:$0x1CE80] =	vst v63  }
0x60: {  	s28 =	simm.s32 $0x97D0  }
0x61: {  	[tilespmem:s28], [sflag:$0x2] =	stream.linear.gather [hbm4b:s4+s3], $0x3E8, $0x38;
	[tilespmem:$0x1CE80] =	vst v63  }
0x62: {  	s28 =	simm.s32 $0x9BB8  }
0x63: {  	[tilespmem:s28], [sflag:$0x2] =	stream.linear.gather [hbm4b:s5+s3], $0x3E8, $0x38;
	[tilespmem:$0x1CE80] =	vst v63  }
0x64: {  	s28 =	simm.s32 $0x9FA0  }
0x65: {  	[tilespmem:s28], [sflag:$0x2] =	stream.linear.gather [hbm4b:s6+s3], $0x3E8, $0x38;
	[tilespmem:$0x1CE80] =	vst v63  }
0x66: {  	s28 =	simm.s32 $0xA388  }
0x67: {  	[tilespmem:s28], [sflag:$0x2] =	stream.linear.gather [hbm4b:s7+s3], $0x3E8, $0x38;
	[tilespmem:$0x1CE80] =	vst v63  }
0x68: {  	s28 =	simm.s32 $0xA770  }
0x69: {  	[tilespmem:s28], [sflag:$0x2] =	stream.linear.gather [hbm4b:s8+s3], $0x3E8, $0x38;
	[tilespmem:$0x1CE80] =	vst v63  }
0x6a: {  	s28 =	simm.s32 $0xAB58  }
0x6b: {  	[tilespmem:s28], [sflag:$0x2] =	stream.linear.gather [hbm4b:s9+s3], $0x3E8, $0x38;
	[tilespmem:$0x1CE80] =	vst v63  }
0x6c: {  	s28 =	simm.s32 $0xAF40  }
0x6d: {  	[tilespmem:s28], [sflag:$0x2] =	stream.linear.gather [hbm4b:s10+s3], $0x3E8, $0x38;
	[tilespmem:$0x1CE80] =	vst v63  }
0x6e: {  	s28 =	simm.s32 $0xB328  }
0x6f: {  	[tilespmem:s28], [sflag:$0x2] =	stream.linear.gather [hbm4b:s11+s3], $0x3E8, $0x38;
	[tilespmem:$0x1CE80] =	vst v63  }
0x70: {  	s28 =	simm.s32 $0xB710  }
0x71: {  	[tilespmem:s28], [sflag:$0x2] =	stream.linear.gather [hbm4b:s12+s3], $0x3E8, $0x38;
	[tilespmem:$0x1CE80] =	vst v63  }
0x72: {  	s28 =	simm.s32 $0xBAF8  }
0x73: {  	[tilespmem:s28], [sflag:$0x2] =	stream.linear.gather [hbm4b:s13+s3], $0x3E8, $0x38;
	[tilespmem:$0x1CE80] =	vst v63  }
0x74: {  	s28 =	simm.s32 $0xBEE0  }
0x75: {  	[tilespmem:s28], [sflag:$0x2] =	stream.linear.gather [hbm4b:s14+s3], $0x3E8, $0x38;
	[tilespmem:$0x1CE80] =	vst v63  }
0x76: {  	s28 =	simm.s32 $0xC2C8  }
0x77: {  	[tilespmem:s28], [sflag:$0x2] =	stream.linear.gather [hbm4b:s15+s3], $0x3E8, $0x38;
	[tilespmem:$0x1CE80] =	vst v63  }
0x78: {  	s28 =	simm.s32 $0xC6B0  }
0x79: {  	[tilespmem:s28], [sflag:$0x2] =	stream.linear.gather [hbm4b:s16+s3], $0x3E8, $0x38;
	[tilespmem:$0x1CE80] =	vst v63  }
0x7a: {  	s28 =	simm.s32 $0xCA98  }
0x7b: {  	[tilespmem:s28], [sflag:$0x2] =	stream.linear.gather [hbm4b:s17+s3], $0x3E8, $0x38;
	[tilespmem:$0x1CE80] =	vst v63  }
0x7c: {  	_ =	swait.ge [sflag:s21], $0x200  }
0x7d: {  	[sflag:s21] =	ssyncset.done $0x0  }
0x7e: {  	[sflag:s21] =	ssyncadd.s32 $0xFFFFFE00  }
0x7f: {  	_ =	swait.ge [sflag:s21], $0x200  }
0x80: {  	[sflag:s21] =	ssyncset.done $0x0  }
0x81: {  	[sflag:s21] =	ssyncadd.s32 $0xFFFFFE00  }
0x82: {  	_ =	swait.ge [sflag:s21], $0x200  }
0x83: {  	[sflag:s21] =	ssyncset.done $0x0  }
0x84: {  	s31 =	simm.s32 $0x3000;
	s28 =	rddreg [dreg:$0x7];
	[sflag:s21] =	ssyncadd.s32 $0xFFFFFE00  }
0x85: {  	[tilespmem:s31], [sflag:$0x1] =	stream.indirect.gather [hbm4b:s28+s18], $0x10, s3, s18, $0xb8;
	[tilespmem:$0x1CE80] =	vst v63  }
0x86: {  	s30 =	simm.s32 $0x5000;
	s28 =	rddreg [dreg:$0x8]  }
0x87: {  	[tilespmem:s30], [sflag:$0x1] =	stream.indirect.gather [hbm4b:s28+s18], $0x10, s18, s18, $0xb8;
	[tilespmem:$0x1CE80] =	vst v63  }
0x88: {  	s31 =	simm.s32 $0x7000;
	s28 =	rddreg [dreg:$0x9]  }
0x89: {  	[tilespmem:s31], [sflag:$0x1] =	stream.indirect.gather [hbm4b:s28+s18], $0x10, s19, s18, $0xb8;
	[tilespmem:$0x1CE80] =	vst v63  }
0x8a: {  	_ =	swait.ge [sflag:s21], $0x200  }
0x8b: {  	[sflag:s21] =	ssyncset.done $0x0  }
0x8c: {  	[sflag:s21] =	ssyncadd.s32 $0xFFFFFE00  }
0x8d: {  	_ =	swait.ge [sflag:s21], $0x200  }
0x8e: {  	[sflag:s21] =	ssyncset.done $0x0  }
0x8f: {  	[sflag:s21] =	ssyncadd.s32 $0xFFFFFE00  }
0x90: {  	_ =	swait.ge [sflag:s21], $0x200  }
0x91: {  	[sflag:s21] =	ssyncset.done $0x0  }
0x92: {  	[sflag:s21] =	ssyncadd.s32 $0xFFFFFE00  }
0x93: {  	_ =	swait.ge [sflag:s21], $0x200  }
0x94: {  	[sflag:s21] =	ssyncset.done $0x0  }
0x95: {  	[sflag:s21] =	ssyncadd.s32 $0xFFFFFE00  }
0x96: {  	_ =	swait.ge [sflag:s21], $0x200  }
0x97: {  	[sflag:s21] =	ssyncset.done $0x0  }
0x98: {  	[sflag:s21] =	ssyncadd.s32 $0xFFFFFE00  }
0x99: {  	_ =	swait.ge [sflag:s21], $0x200  }
0x9a: {  	[sflag:s21] =	ssyncset.done $0x0  }
0x9b: {  	[sflag:s21] =	ssyncadd.s32 $0xFFFFFE00  }
0x9c: {  	_ =	swait.ge [sflag:s21], $0x200  }
0x9d: {  	[sflag:s21] =	ssyncset.done $0x0  }
0x9e: {  	[sflag:s21] =	ssyncadd.s32 $0xFFFFFE00  }
0x9f: {  	_ =	swait.ge [sflag:s21], $0x200  }
0xa0: {  	[sflag:s21] =	ssyncset.done $0x0  }
0xa1: {  	[sflag:s21] =	ssyncadd.s32 $0xFFFFFE00  }
0xa2: {  	_ =	swait.ge [sflag:s21], $0x200  }
0xa3: {  	[sflag:s21] =	ssyncset.done $0x0  }
0xa4: {  	[sflag:s21] =	ssyncadd.s32 $0xFFFFFE00  }
0xa5: {  	_ =	swait.ge [sflag:s21], $0x200  }
0xa6: {  	[sflag:s21] =	ssyncset.done $0x0  }
0xa7: {  	[sflag:s21] =	ssyncadd.s32 $0xFFFFFE00  }
0xa8: {  	_ =	swait.ge [sflag:s21], $0x200  }
0xa9: {  	[sflag:s21] =	ssyncset.done $0x0  }
0xaa: {  	[sflag:s21] =	ssyncadd.s32 $0xFFFFFE00  }
0xab: {  	_ =	swait.ge [sflag:s21], $0x200  }
0xac: {  	[sflag:s21] =	ssyncset.done $0x0  }
0xad: {  	[sflag:s21] =	ssyncadd.s32 $0xFFFFFE00  }
0xae: {  	_ =	swait.ge [sflag:s21], $0x200  }
0xaf: {  	[sflag:s21] =	ssyncset.done $0x0  }
0xb0: {  	[sflag:s21] =	ssyncadd.s32 $0xFFFFFE00  }
0xb1: {  	_ =	swait.ge [sflag:s21], $0x200  }
0xb2: {  	[sflag:s21] =	ssyncset.done $0x0  }
0xb3: {  	[sflag:s21] =	ssyncadd.s32 $0xFFFFFE00  }
0xb4: {  	_ =	swait.ge [sflag:s21], $0x200  }
0xb5: {  	[sflag:s21] =	ssyncset.done $0x0  }
0xb6: {  	[sflag:s21] =	ssyncadd.s32 $0xFFFFFE00  }
0xb7: {  	_ =	swait.ge [sflag:s21], $0x200  }
0xb8: {  	[sflag:s21] =	ssyncset.done $0x0  }
0xb9: {  	[sflag:s21] =	ssyncadd.s32 $0xFFFFFE00  }
0xba: {  	_ =	swait.ge [sflag:s21], $0x200  }
0xbb: {  	[sflag:s21] =	ssyncset.done $0x0  }
0xbc: {  	[sflag:s21] =	ssyncadd.s32 $0xFFFFFE00  }
0xbd: {  	_ =	swait.ge [sflag:s21], $0x200  }
0xbe: {  	[sflag:s21] =	ssyncset.done $0x0  }
0xbf: {  	[sflag:s21] =	ssyncadd.s32 $0xFFFFFE00  }
0xc0: {  	_ =	swait.ge [sflag:s21], $0x200  }
0xc1: {  	[sflag:s21] =	ssyncset.done $0x0  }
0xc2: {  	[sflag:s21] =	ssyncadd.s32 $0xFFFFFE00  }
0xc3: {  	_ =	swait.ge [sflag:s21], $0x200  }
0xc4: {  	[sflag:s21] =	ssyncset.done $0x0  }
0xc5: {  	[sflag:s21] =	ssyncadd.s32 $0xFFFFFE00  }
0xc6: {  	_ =	swait.ge [sflag:s21], $0x200  }
0xc7: {  	[sflag:s21] =	ssyncset.done $0x0  }
0xc8: {  	[sflag:s21] =	ssyncadd.s32 $0xFFFFFE00  }
0xc9: {  	_ =	swait.ge [sflag:s21], $0x3E8  }
0xca: {  	[sflag:s21] =	ssyncset.done $0x0  }
0xcb: {  	[sflag:s21] =	ssyncadd.s32 $0xFFFFFC18  }
0xcc: {  	_ =	swait.ge [sflag:s21], $0x3E8  }
0xcd: {  	[sflag:s21] =	ssyncset.done $0x0  }
0xce: {  	[sflag:s21] =	ssyncadd.s32 $0xFFFFFC18  }
0xcf: {  	_ =	swait.ge [sflag:s21], $0x3E8  }
0xd0: {  	[sflag:s21] =	ssyncset.done $0x0  }
0xd1: {  	[sflag:s21] =	ssyncadd.s32 $0xFFFFFC18  }
0xd2: {  	_ =	swait.ge [sflag:s21], $0x3E8  }
0xd3: {  	[sflag:s21] =	ssyncset.done $0x0  }
0xd4: {  	[sflag:s21] =	ssyncadd.s32 $0xFFFFFC18  }
0xd5: {  	_ =	swait.ge [sflag:s21], $0x3E8  }
0xd6: {  	[sflag:s21] =	ssyncset.done $0x0  }
0xd7: {  	[sflag:s21] =	ssyncadd.s32 $0xFFFFFC18  }
0xd8: {  	_ =	swait.ge [sflag:s21], $0x3E8  }
0xd9: {  	[sflag:s21] =	ssyncset.done $0x0  }
0xda: {  	[sflag:s21] =	ssyncadd.s32 $0xFFFFFC18  }
0xdb: {  	_ =	swait.ge [sflag:s21], $0x3E8  }
0xdc: {  	[sflag:s21] =	ssyncset.done $0x0  }
0xdd: {  	[sflag:s21] =	ssyncadd.s32 $0xFFFFFC18  }
0xde: {  	_ =	swait.ge [sflag:s21], $0x3E8  }
0xdf: {  	[sflag:s21] =	ssyncset.done $0x0  }
0xe0: {  	[sflag:s21] =	ssyncadd.s32 $0xFFFFFC18  }
0xe1: {  	_ =	swait.ge [sflag:s21], $0x3E8  }
0xe2: {  	[sflag:s21] =	ssyncset.done $0x0  }
0xe3: {  	[sflag:s21] =	ssyncadd.s32 $0xFFFFFC18  }
0xe4: {  	_ =	swait.ge [sflag:s21], $0x3E8  }
0xe5: {  	[sflag:s21] =	ssyncset.done $0x0  }
0xe6: {  	[sflag:s21] =	ssyncadd.s32 $0xFFFFFC18  }
0xe7: {  	_ =	swait.ge [sflag:s21], $0x3E8  }
0xe8: {  	[sflag:s21] =	ssyncset.done $0x0  }
0xe9: {  	[sflag:s21] =	ssyncadd.s32 $0xFFFFFC18  }
0xea: {  	_ =	swait.ge [sflag:s21], $0x3E8  }
0xeb: {  	[sflag:s21] =	ssyncset.done $0x0  }
0xec: {  	[sflag:s21] =	ssyncadd.s32 $0xFFFFFC18  }
0xed: {  	_ =	swait.ge [sflag:s21], $0x3E8  }
0xee: {  	[sflag:s21] =	ssyncset.done $0x0  }
0xef: {  	[sflag:s21] =	ssyncadd.s32 $0xFFFFFC18  }
0xf0: {  	_ =	swait.ge [sflag:s21], $0x3E8  }
0xf1: {  	[sflag:s21] =	ssyncset.done $0x0  }
0xf2: {  	[sflag:s21] =	ssyncadd.s32 $0xFFFFFC18  }
0xf3: {  	_ =	swait.ge [sflag:s21], $0x3E8  }
0xf4: {  	[sflag:s21] =	ssyncset.done $0x0  }
0xf5: {  	[sflag:s21] =	ssyncadd.s32 $0xFFFFFC18  }
0xf6: {  	_ =	swait.ge [sflag:s21], $0x3E8  }
0xf7: {  	[sflag:s21] =	ssyncset.done $0x0  }
0xf8: {  	s28 =	simm.s32 $0x0;
	[sflag:s21] =	ssyncadd.s32 $0xFFFFFC18  }
.LBB2_2:
0xf9: {  	v17 =	vmov s26;
	_ =	sdelay $0x3  }
0xfa: {  	s29 =	simm.s32 $0x0  }
0xfb: {  	v2 =	vld.idx.msk [tilespmem:v17+s29+$0x0 ss:$0x1], $0xffff;
	_ =	sdelay $0x4  }
0xfc: {  	v4 =	vadd.s32 $0x3A98, v2  }
0xfd: {  	v3 =	vimm.f32 $0.0e+00;
	v18 =	vimm.f32 $0.0e+00;
	v5 =	vadd.s32 $0x3E8, v2  }
0xfe: {  	v15 =	vimm.f32 $0.0e+00;
	v16 =	vimm.f32 $0.0e+00;
	v6 =	vadd.s32 $0x7D0, v2  }
0xff: {  	v13 =	vimm.f32 $0.0e+00;
	v14 =	vimm.f32 $0.0e+00;
	v8 =	vadd.s32 $0xBB8, v2  }
0x100: {  	v12 =	vimm.f32 $0.0e+00;
	v9 =	vimm.f32 $0.0e+00;
	v11 =	vadd.s32 $0xFA0, v2;
	v7 =	vld.idx.msk [tilespmem:v2+s20+$0x0], $0xffff  }
0x101: {  	v10 =	vimm.f32 $0.0e+00;
	v33 =	vadd.s32 $0x1388, v2;
	v27 =	vadd.s32 $0x1770, v2;
	v28 =	vld.idx.msk [tilespmem:v4+s20+$0x0], $0xffff  }
0x102: {  	v26 =	vadd.s32 $0x1B58, v2;
	v24 =	vadd.s32 $0x1F40, v2;
	v25 =	vadd.s32 $0x2328, v2;
	v29 =	vld.idx.msk [tilespmem:v5+s20+$0x0], $0xffff  }
0x103: {  	v23 =	vadd.s32 $0x2710, v2;
	v22 =	vadd.s32 $0x2AF8, v2;
	v21 =	vadd.s32 $0x2EE0, v2;
	v30 =	vld.idx.msk [tilespmem:v6+s20+$0x0], $0xffff  }
0x104: {  	v20 =	vadd.s32 $0x32C8, v2;
	v19 =	vadd.s32 $0x36B0, v2;
	v31 =	vld.idx.msk [tilespmem:v8+s20+$0x0], $0xffff;
	v6 =	vimm.f32 $0.0e+00  }
0x105: {  	v32 =	vld.idx.msk [tilespmem:v11+s20+$0x0], $0xffff;
	v5 =	vimm.f32 $0.0e+00;
	v11 =	vimm.f32 $0.0e+00;
	v8 =	vimm.f32 $0.0e+00  }
0x106: {  	s31 =	simm.s32 $0x200;
	s30 =	simm.s32 $0x1000;
	s29 =	sshll.u32 s28, $0x4;
	v33 =	vld.idx.msk [tilespmem:v33+s20+$0x0], $0xffff;
	v4 =	vimm.f32 $0.0e+00;
	v2 =	vadd.f32 v7, v3;
	v7 =	vimm.f32 $0.0e+00  }
.LBB2_3:
0x107: {  	p0 =	sne.s32 s30, $0x9800;
	v34 =	vld.idx.msk [tilespmem:v17+s31+$0x0 ss:$0x1], $0xffff;
	v3 =	vadd.f32 v28, v3  }
0x108: {  	v18 =	vadd.f32 v29, v18;
	v29 =	vld.idx.msk [tilespmem:v27+s20+$0x0], $0xffff  }
0x109: {  	v15 =	vadd.f32 v30, v15;
	v30 =	vld.idx.msk [tilespmem:v26+s20+$0x0], $0xffff  }
0x10a: {  	v16 =	vadd.f32 v31, v16;
	v31 =	vld.idx.msk [tilespmem:v24+s20+$0x0], $0xffff  }
0x10b: {  	v13 =	vadd.f32 v32, v13;
	v32 =	vld.idx.msk [tilespmem:v25+s20+$0x0], $0xffff  }
0x10c: {  	v14 =	vadd.f32 v33, v14;
	v33 =	vld.idx.msk [tilespmem:v23+s20+$0x0], $0xffff  }
0x10d: {  	v35 =	vadd.s32 $0x3E8, v34;
	v36 =	vadd.s32 $0x7D0, v34;
	v28 =	vadd.s32 $0x3A98, v34;
	v37 =	vld.idx.msk [tilespmem:v22+s20+$0x0], $0xffff  }
0x10e: {  	v38 =	vadd.s32 $0xBB8, v34;
	v39 =	vadd.s32 $0xFA0, v34;
	v40 =	vadd.s32 $0x1388, v34;
	v41 =	vld.idx.msk [tilespmem:v21+s20+$0x0], $0xffff  }
0x10f: {  	v27 =	vadd.s32 $0x1770, v34;
	v26 =	vadd.s32 $0x1B58, v34;
	v24 =	vadd.s32 $0x1F40, v34;
	v42 =	vld.idx.msk [tilespmem:v20+s20+$0x0], $0xffff  }
0x110: {  	v25 =	vadd.s32 $0x2328, v34;
	v23 =	vadd.s32 $0x2710, v34;
	v22 =	vadd.s32 $0x2AF8, v34;
	v43 =	vld.idx.msk [tilespmem:v19+s20+$0x0], $0xffff  }
0x111: {  	v21 =	vadd.s32 $0x2EE0, v34;
	v20 =	vadd.s32 $0x32C8, v34;
	v19 =	vadd.s32 $0x36B0, v34;
	v44 =	vld.idx.msk [tilespmem:v34+s20+$0x0], $0xffff  }
0x112: {  	v12 =	vadd.f32 v29, v12;
	v9 =	vadd.f32 v30, v9;
	v28 =	vld.idx.msk [tilespmem:v28+s20+$0x0], $0xffff  }
.Ltmp0:
0x113: {  	v10 =	vadd.f32 v31, v10;
	v6 =	vadd.f32 v32, v6;
	v29 =	vld.idx.msk [tilespmem:v35+s20+$0x0], $0xffff;
	(pc) =	sbr.rel @p0 .LBB2_3-.Ltmp0, $4  }
0x114: {  	v7 =	vadd.f32 v33, v7;
	v5 =	vadd.f32 v37, v5;
	v30 =	vld.idx.msk [tilespmem:v36+s20+$0x0], $0xffff  }
0x115: {  	v11 =	vadd.f32 v41, v11;
	v8 =	vadd.f32 v42, v8;
	v31 =	vld.idx.msk [tilespmem:v38+s20+$0x0], $0xffff  }
0x116: {  	v4 =	vadd.f32 v43, v4;
	v32 =	vld.idx.msk [tilespmem:v39+s20+$0x0], $0xffff  }
0x117: {  	s31 =	sshra.s32 s30, $0x2;
	s30 =	sadd.s32 $0x800, s30;
	v2 =	vadd.f32 v44, v2;
	v33 =	vld.idx.msk [tilespmem:v40+s20+$0x0], $0xffff  }
0x118: {  	_ =	sdelay $0x3  }
0x119: {  	v17 =	vld.idx.msk [tilespmem:v17+s31+$0x0 ss:$0x1], $0xffff  }
0x11a: {  	v27 =	vld.idx.msk [tilespmem:v27+s20+$0x0], $0xffff  }
0x11b: {  	v26 =	vld.idx.msk [tilespmem:v26+s20+$0x0], $0xffff  }
0x11c: {  	v24 =	vld.idx.msk [tilespmem:v24+s20+$0x0], $0xffff  }
0x11d: {  	v25 =	vld.idx.msk [tilespmem:v25+s20+$0x0], $0xffff  }
0x11e: {  	v23 =	vld.idx.msk [tilespmem:v23+s20+$0x0], $0xffff  }
0x11f: {  	v22 =	vld.idx.msk [tilespmem:v22+s20+$0x0], $0xffff;
	v34 =	vadd.s32 $0x3A98, v17  }
0x120: {  	v21 =	vld.idx.msk [tilespmem:v21+s20+$0x0], $0xffff;
	v35 =	vadd.s32 $0x3E8, v17  }
0x121: {  	v20 =	vld.idx.msk [tilespmem:v20+s20+$0x0], $0xffff;
	v36 =	vadd.s32 $0x7D0, v17  }
0x122: {  	v19 =	vld.idx.msk [tilespmem:v19+s20+$0x0], $0xffff;
	v37 =	vadd.s32 $0xBB8, v17  }
0x123: {  	v38 =	vadd.s32 $0xFA0, v17;
	v39 =	vld.idx.msk [tilespmem:v17+s20+$0x0], $0xffff  }
0x124: {  	v40 =	vadd.s32 $0x1388, v17;
	v34 =	vld.idx.msk [tilespmem:v34+s20+$0x0], $0xffff  }
0x125: {  	v3 =	vadd.f32 v28, v3;
	v41 =	vadd.s32 $0x1770, v17;
	v35 =	vld.idx.msk [tilespmem:v35+s20+$0x0], $0xffff  }
0x126: {  	v18 =	vadd.f32 v29, v18;
	v62 =	vmov s29;
	v42 =	vadd.s32 $0x1B58, v17;
	v36 =	vld.idx.msk [tilespmem:v36+s20+$0x0], $0xffff  }
0x127: {  	v15 =	vadd.f32 v30, v15;
	v28 =	vshll.u32 v62, $0x7;
	v52 =	vadd.s32 $0x1F40, v17;
	v53 =	vld.idx.msk [tilespmem:v37+s20+$0x0], $0xffff  }
0x128: {  	v16 =	vadd.f32 v31, v16;
	v43 =	vor.u32 v0, v28;
	v54 =	vadd.s32 $0x2328, v17;
	v55 =	vld.idx.msk [tilespmem:v38+s20+$0x0], $0xffff  }
0x129: {  	v13 =	vadd.f32 v32, v13;
	v45 =	vor.u32 $0x20, v43;
	v56 =	vadd.s32 $0x2710, v17;
	v57 =	vld.idx.msk [tilespmem:v40+s20+$0x0], $0xffff  }
0x12a: {  	v48 =	vor.u32 $0x22, v43;
	v50 =	vor.u32 $0x23, v43;
	v58 =	vadd.s32 $0x2AF8, v17;
	v41 =	vld.idx.msk [tilespmem:v41+s20+$0x0], $0xffff  }
0x12b: {  	v14 =	vadd.f32 v33, v14;
	v59 =	vadd.s32 $0x2EE0, v17;
	v12 =	vadd.f32 v27, v12;
	v61 =	vld.idx.msk [tilespmem:v42+s20+$0x0], $0xffff  }
0x12c: {  	v60 =	vadd.s32 $0x32C8, v17;
	v9 =	vadd.f32 v26, v9;
	v10 =	vadd.f32 v24, v10;
	v63 =	vld.idx.msk [tilespmem:v52+s20+$0x0], $0xffff  }
0x12d: {  	v6 =	vadd.f32 v25, v6;
	v7 =	vadd.f32 v23, v7;
	v17 =	vadd.s32 $0x36B0, v17;
	v42 =	vld.idx.msk [tilespmem:v54+s20+$0x0], $0xffff  }
0x12e: {  	v5 =	vadd.f32 v22, v5;
	v26 =	vor.u32 $0x21, v43;
	v44 =	vld.idx.msk [tilespmem:v56+s20+$0x0], $0xffff;
	v2 =	vadd.f32 v39, v2  }
0x12f: {  	v51 =	vor.u32 $0x24, v43;
	v11 =	vadd.f32 v21, v11;
	v46 =	vld.idx.msk [tilespmem:v58+s20+$0x0], $0xffff;
	v18 =	vadd.f32 v35, v18  }
0x130: {  	v8 =	vadd.f32 v20, v8;
	v47 =	vld.idx.msk [tilespmem:v59+s20+$0x0], $0xffff;
	v15 =	vadd.f32 v36, v15;
	v2 =	vmul.f32 $5.000000070e-02, v2  }
0x131: {  	v4 =	vadd.f32 v19, v4;
	v49 =	vld.idx.msk [tilespmem:v60+s20+$0x0], $0xffff;
	v16 =	vadd.f32 v53, v16;
	v18 =	vmul.f32 $5.000000070e-02, v18  }
0x132: {  	v52 =	vor.u32 $0x25, v43;
	v17 =	vld.idx.msk [tilespmem:v17+s20+$0x0], $0xffff;
	v13 =	vadd.f32 v55, v13;
	[tilespmem:v45+s22+$0x0] =	vst.idx.msk $0xffff, v2;
	v2 =	vmul.f32 $5.000000070e-02, v15  }
0x133: {  	v14 =	vadd.f32 v57, v14;
	v53 =	vor.u32 $0x26, v43;
	v16 =	vmul.f32 $5.000000070e-02, v16;
	[tilespmem:v26+s22+$0x0] =	vst.idx.msk $0xffff, v18  }
0x134: {  	v54 =	vor.u32 $0x27, v43;
	v12 =	vadd.f32 v41, v12;
	[tilespmem:v48+s22+$0x0] =	vst.idx.msk $0xffff, v2;
	v2 =	vmul.f32 $5.000000070e-02, v13  }
0x135: {  	v9 =	vadd.f32 v61, v9;
	v55 =	vor.u32 $0x28, v43;
	v14 =	vmul.f32 $5.000000070e-02, v14;
	[tilespmem:v50+s22+$0x0] =	vst.idx.msk $0xffff, v16  }
0x136: {  	v56 =	vor.u32 $0x29, v43;
	v10 =	vadd.f32 v63, v10;
	[tilespmem:v51+s22+$0x0] =	vst.idx.msk $0xffff, v2;
	v2 =	vmul.f32 $5.000000070e-02, v12  }
0x137: {  	v6 =	vadd.f32 v42, v6;
	v57 =	vor.u32 $0x2A, v43;
	v9 =	vmul.f32 $5.000000070e-02, v9;
	[tilespmem:v52+s22+$0x0] =	vst.idx.msk $0xffff, v14  }
0x138: {  	v58 =	vor.u32 $0x2B, v43;
	v7 =	vadd.f32 v44, v7;
	[tilespmem:v53+s22+$0x0] =	vst.idx.msk $0xffff, v2;
	v2 =	vmul.f32 $5.000000070e-02, v10  }
0x139: {  	v59 =	vor.u32 $0x2C, v43;
	v5 =	vadd.f32 v46, v5;
	v6 =	vmul.f32 $5.000000070e-02, v6;
	[tilespmem:v54+s22+$0x0] =	vst.idx.msk $0xffff, v9  }
0x13a: {  	v60 =	vor.u32 $0x2D, v43;
	v11 =	vadd.f32 v47, v11;
	[tilespmem:v55+s22+$0x0] =	vst.idx.msk $0xffff, v2;
	v2 =	vmul.f32 $5.000000070e-02, v7  }
0x13b: {  	s28 =	sadd.s32 $0x1, s28;
	v8 =	vadd.f32 v49, v8;
	v61 =	vor.u32 $0x2E, v43;
	v5 =	vmul.f32 $5.000000070e-02, v5;
	[tilespmem:v56+s22+$0x0] =	vst.idx.msk $0xffff, v6  }
0x13c: {  	p0 =	sne.s32 s28, $0x20;
	v62 =	vor.u32 $0x2F, v43;
	v4 =	vadd.f32 v17, v4;
	[tilespmem:v57+s22+$0x0] =	vst.idx.msk $0xffff, v2;
	v2 =	vmul.f32 $5.000000070e-02, v11  }
.Ltmp1:
0x13d: {  	v3 =	vadd.f32 v34, v3;
	v63 =	vmul.f32 $5.000000070e-02, v8;
	[tilespmem:v58+s22+$0x0] =	vst.idx.msk $0xffff, v5;
	(pc) =	sbr.rel @p0 .LBB2_2-.Ltmp1, $4  }
0x13e: {  	[tilespmem:v59+s22+$0x0] =	vst.idx.msk $0xffff, v2;
	v2 =	vmul.f32 $5.000000070e-02, v4  }
0x13f: {  	v3 =	vmul.f32 $5.000000070e-02, v3;
	[tilespmem:v60+s22+$0x0] =	vst.idx.msk $0xffff, v63  }
0x140: {  	[tilespmem:v61+s22+$0x0] =	vst.idx.msk $0xffff, v2  }
0x141: {  	s26 =	sadd.s32 $0x10, s26;
	[tilespmem:v62+s22+$0x0] =	vst.idx.msk $0xffff, v3  }
0x142: {  	_ =	swait.ge [sflag:s23], $0x2000  }
0x143: {  	[sflag:s23] =	ssyncset.done $0x0  }
0x144: {  	[sflag:s23] =	ssyncadd.s32 $0xFFFFE000  }
0x145: {  	_ =	swait.ge [sflag:s23], $0x2000  }
0x146: {  	[sflag:s23] =	ssyncset.done $0x0  }
0x147: {  	[sflag:s23] =	ssyncadd.s32 $0xFFFFE000  }
0x148: {  	_ =	swait.ge [sflag:s23], $0x2000  }
0x149: {  	[sflag:s23] =	ssyncset.done $0x0  }
0x14a: {  	s28 =	simm.s32 $0x0;
	[sflag:s23] =	ssyncadd.s32 $0xFFFFE000  }
0x14b: {  	v2 =	vld [tilespmem:s28+$0x3000];
	_ =	sdelay $0x3  }
0x14c: {  	s26 =	simm.s32 $0xCEC0  }
0x14d: {  	[tilespmem:s26+$0xFFFFFFC0] =	vst v2  }
0x14e: {  	v2 =	vld [tilespmem:s28+$0x5000];
	_ =	sdelay $0x4  }
0x14f: {  	[tilespmem:s26+$0xFFFFFFD0] =	vst v2  }
0x150: {  	v2 =	vld [tilespmem:s28+$0x7000]  }
0x151: {  	[tilespmem:s26+$0x0] =	vst v1  }
0x152: {  	[tilespmem:s26+$0x10] =	vst v1  }
0x153: {  	[tilespmem:s26+$0x20] =	vst v1  }
0x154: {  	[tilespmem:s26+$0x30] =	vst v1  }
0x155: {  	s30 =	simm.s32 $0x10;
	s29 =	simm.s32 $0x80;
	s28 =	simm.s32 $0x0;
	[tilespmem:s26+$0xFFFFFFF0] =	vst v2  }
.LBB2_6:
0x156: {  	p0 =	sne.s32 s29, $0x7FC0;
	v2 =	vld [tilespmem:s30+$0x3000];
	_ =	sdelay $0x3  }
0x157: {  	s26 =	sadd.s32 $0x80, s26  }
0x158: {  	[tilespmem:s26+$0xFFFFFFC0] =	vst v2  }
0x159: {  	v2 =	vld [tilespmem:s30+$0x5000];
	_ =	sdelay $0x4  }
0x15a: {  	[tilespmem:s26+$0xFFFFFFD0] =	vst v2  }
0x15b: {  	v2 =	vld [tilespmem:s30+$0x7000];
	[tilespmem:s26+$0x0] =	vst v1  }
.Ltmp2:
0x15c: {  	[tilespmem:s26+$0x10] =	vst v1;
	(pc) =	sbr.rel @p0 .LBB2_6-.Ltmp2, $3  }
0x15d: {  	[tilespmem:s26+$0x20] =	vst v1  }
0x15e: {  	[tilespmem:s26+$0x30] =	vst v1;
	_ =	sdelay $0x1  }
0x15f: {  	s30 =	sshra.s32 s29, $0x2;
	s29 =	sadd.s32 $0x40, s29;
	[tilespmem:s26+$0xFFFFFFF0] =	vst v2  }
0x160: {  	v2 =	vld [tilespmem:s30+$0x3000];
	_ =	sdelay $0x3  }
0x161: {  	s26 =	sadd.s32 $0x80, s26  }
0x162: {  	[tilespmem:s26+$0xFFFFFFC0] =	vst v2  }
0x163: {  	v2 =	vld [tilespmem:s30+$0x5000];
	_ =	sdelay $0x4  }
0x164: {  	[tilespmem:s26+$0xFFFFFFD0] =	vst v2  }
0x165: {  	v2 =	vld [tilespmem:s30+$0x7000]  }
0x166: {  	[tilespmem:s26+$0x0] =	vst v1  }
0x167: {  	[tilespmem:s26+$0x10] =	vst v1  }
0x168: {  	v3 =	vmov s28;
	[tilespmem:s26+$0x20] =	vst v1  }
0x169: {  	v3 =	vshll.u32 v3, $0x7;
	[tilespmem:s26+$0x30] =	vst v1  }
0x16a: {  	v3 =	vor.u32 v0, v3;
	[tilespmem:s26+$0xFFFFFFF0] =	vst v2;
	s26 =	simm.s32 $0x2E00  }
0x16b: {  	s28 =	simm.s32 $0x10;
	v3 =	vor.u32 $0x40, v3;
	v2 =	vld [tilespmem:s26+$0x0]  }
.LBB2_8:
0x16c: {  	p0 =	sne.s32 s28, $0x1F0  }
.Ltmp3:
0x16d: {  	_ = 	snop;
	(pc) =	sbr.rel @p0 .LBB2_8-.Ltmp3, $4  }
0x16e: {  	v4 =	vmov s28  }
0x16f: {  	v4 =	vshll.u32 v4, $0x7  }
0x170: {  	s26 =	sadd.s32 $0x10, s26;
	v4 =	vor.u32 v0, v4;
	[tilespmem:v3+s22+$0x0] =	vst.idx.msk $0xffff, v2  }
0x171: {  	s28 =	sadd.s32 $0x10, s28;
	v3 =	vor.u32 $0x40, v4;
	v2 =	vld [tilespmem:s26+$0x0]  }
0x172: {  	_ =	sdelay $0x1  }
0x173: {  	s25 =	sadd.s32 $0x1, s25  }
0x174: {  	p0 =	sne.s32 s25, s1  }
.Ltmp4:
0x175: {  	[tilespmem:v3+s22+$0x0] =	vst.idx.msk $0xffff, v2;
	(pc) =	sbr.rel @p0 .LBB2_1-.Ltmp4, $4  }
0x176: {  	[hbm4b:s0+s3] =	stream.linear.scatter [tilespmem:s22], [sflag:$0x3], $0x10000, $0x38;
	[tilespmem:$0x1CE80] =	vst v63  }
0x177: {  	_ =	swait.ge [sflag:s24], $0x10000  }
0x178: {  	[sflag:s24] =	ssyncset.done $0x0  }
0x179: {  	[sflag:s24] =	ssyncadd.s32 $0xFFFF0000  }
0x17a: {  	_ =	sfence.sel $0x180000  }
0x17b: {  	[bflag:$0x0] =	sbarrier.arrive $0xFFFF  }
0x17c: {  	_ =	strace $0x90000047  }
0x17d: {  	s0 =	stileid.u32;
	[bflag:$0x2] =	sbarrier.arrive $0xFFFF  }
0x17e: {  	p0 =	sne.s32 s0, $0x0;
	s0 =	rddreg [dreg:$0x6]  }
0x17f: {  	s0 =	sadd.s32 @!p0 $0x100000, s0  }
0x180: {  	[sflag:s0] =	ssyncadd.tile.s32 @!p0 $0x1;
	_ =	shalt  }
.Lfunc_end2:
_tile_overlayer_lowered:
.L_overlay_start_2:
0x181: {  	(tag) =	ssettag $0x2  }
0x182: {  	s0 =	rddreg [dreg:$0x0];
	s2 =	stileid.u32  }
0x183: {  	s1 =	rddreg [dreg:$0x1];
	p0 =	sne.s32 s2, $0x0  }
0x184: {  	s3 =	rddreg [dreg:$0x2];
	[bflag:$0x3] =	sbarrier.arrive $0xFFFF;
	s2 =	simm.s32 @!p0 $0x1C03  }
0x185: {  	[timem:s3], [sflag:s2] =	dma.local @!p0 [hbm:s0], s1  }
0x186: {  	s0 =	simm.s32 @!p0 $0x3  }
0x187: {  	_ =	swait.ge @!p0 [sflag:s0], s1  }
0x188: {  	s1 =	ssub.s32 @!p0 $0x0, s1;
	[sflag:s0] =	ssyncset.done @!p0 $0x0  }
0x189: {  	[sflag:s0] =	ssyncadd.s32 @!p0 s1  }
0x18a: {  	[bflag:$0x3] =	sbarrier.arrive $0xFFFF  }
0x18b: {  	_ =	shalt  }

</sc_bundles>
